<compile_context>
chip_gen: v7x
topology: tpu7x:2x2x1
jax: 0.10.2.dev20260603
libtpu: 0.0.44.dev20260713+nightly
codegen_flags: <defaults>
</compile_context>

<pallas_src>
import functools

import jax
import jax.numpy as jnp
from jax import lax
from jax.experimental import pallas as pl
from jax.experimental.pallas import tpu as pltpu
from jax.experimental.pallas import tpu_sc as plsc

NUM_CLASSES = 1000
TABLE_ROWS = NUM_CLASSES + 1
HIDDEN = 128
BATCH = 16384
LOAD_ROWS = 64

NUM_CORES = 2
NUM_SUBCORES = 16
NUM_WORKERS = NUM_CORES * NUM_SUBCORES
B_PER_W = BATCH // NUM_WORKERS
IDX_CHUNK = 64
N_CHUNKS = B_PER_W // IDX_CHUNK

_mesh = plsc.VectorSubcoreMesh(core_axis_name="c", subcore_axis_name="s")


@functools.partial(
    pl.kernel,
    out_type=jax.ShapeDtypeStruct((BATCH, HIDDEN), jnp.float32),
    mesh=_mesh,
    scratch_types=[
        pltpu.VMEM((B_PER_W,), jnp.int32),
        pltpu.VMEM((B_PER_W, HIDDEN), jnp.float32),
        pltpu.VMEM_SHARED((TABLE_ROWS, HIDDEN), jnp.float32),
        pltpu.SemaphoreType.DMA((N_CHUNKS,)),
        pltpu.SemaphoreType.DMA,
        pltpu.SemaphoreType.DMA,
        pltpu.SemaphoreType.DMA,
    ],
)
def _sc_gather(
    table_hbm, labels_hbm, out_hbm, idx_v, rows_v, table_sp, gsem, osem, isem,
    tsem,
):
    sid = lax.axis_index("s")
    wid = sid * NUM_CORES + lax.axis_index("c")
    base = wid * B_PER_W
    idx_c = pltpu.async_copy(labels_hbm.at[pl.ds(base, B_PER_W)], idx_v, isem)
    slab = pl.multiple_of(
        lax.min(sid * LOAD_ROWS, (NUM_SUBCORES - 1) * LOAD_ROWS - 24), 8
    )
    tab_c = pltpu.async_copy(
        table_hbm.at[pl.ds(slab, LOAD_ROWS)],
        table_sp.at[pl.ds(slab, LOAD_ROWS)],
        tsem,
    )

    idx_c.wait()
    gathers = []
    for j in range(1):
        gathers.append(
            pltpu.async_copy(
                table_hbm.at[idx_v.at[pl.ds(j * IDX_CHUNK, IDX_CHUNK)]],
                rows_v.at[pl.ds(j * IDX_CHUNK, IDX_CHUNK)],
                gsem.at[j],
            )
        )

    @pl.when(sid == 0)
    def _load_last_row():
        pltpu.sync_copy(
            table_hbm.at[pl.ds(TABLE_ROWS - 1, 1)],
            table_sp.at[pl.ds(TABLE_ROWS - 1, 1)],
        )

    tab_c.wait()
    plsc.subcore_barrier()
    for j in range(1, N_CHUNKS):
        gathers.append(
            pltpu.async_copy(
                table_sp.at[idx_v.at[pl.ds(j * IDX_CHUNK, IDX_CHUNK)]],
                rows_v.at[pl.ds(j * IDX_CHUNK, IDX_CHUNK)],
                gsem.at[j],
            )
        )
    outs = []
    for j in range(N_CHUNKS):
        gathers[j].wait()
        outs.append(
            pltpu.async_copy(
                rows_v.at[pl.ds(j * IDX_CHUNK, IDX_CHUNK)],
                out_hbm.at[pl.ds(base + j * IDX_CHUNK, IDX_CHUNK)],
                osem,
            )
        )
    for c in outs:
        c.wait()


def kernel(labels, train, embedding_table):
    del train
    return _sc_gather(embedding_table, labels.astype(jnp.int32))

# --- scband reference (transcript-rebuilt; emitter-appended) ---
"""Pipeline reference for scband-label-embedder-86311662780670 (READ-ONLY COPY).

The authoritative reference and input builder live on the scoring server;
editing this copy changes nothing except your own understanding.
"""

import jax, jax.numpy as jnp
import numpy as np

NUM_CLASSES = 1000
HIDDEN_SIZE = 128
DROPOUT_PROB = 0.1
# use_cfg_embedding = dropout_prob > 0 -> table has num_classes + 1 rows
TABLE_ROWS = NUM_CLASSES + 1

def setup_inputs(seed: int = 0) -> dict:
    key = jax.random.key(seed)
    k1, k2 = jax.random.split(key)
    labels = jax.random.randint(k1, (16384,), 0, NUM_CLASSES, dtype=jnp.int64 if jax.config.jax_enable_x64 else jnp.int32)
    # nn.Embedding default init: N(0, 1)
    embedding_table = jax.random.normal(k2, (TABLE_ROWS, HIDDEN_SIZE), dtype=jnp.float32)
    return {"labels": labels, "train": 0, "embedding_table": embedding_table}

def reference(labels, train, embedding_table):
    # train=0 (eval mode): token_drop is skipped, deterministic lookup
    # (if train were truthy with dropout_prob>0, labels would be randomly
    # replaced with NUM_CLASSES, the null class index)
    embeddings = jnp.take(embedding_table, labels, axis=0)
    return embeddings

if __name__ == "__main__":
    import jax
    _d = setup_inputs()
    print(jax.jit(kernel)(*tuple(_d.values())))

</pallas_src>

<mosaic_0001>
#map = affine_map<(d0, d1) -> (0, 0)>
#map1 = affine_map<(d0, d1) -> (0)>
module attributes {stable_mosaic.version = 14 : i64} {
  func.func @_sc_gather(%arg0: i32, %arg1: i32, %arg2: memref<1001x128xf32, #tpu.memory_space<hbm>>, %arg3: memref<16384xi32, #tpu.memory_space<hbm>>, %arg4: memref<16384x128xf32, #tpu.memory_space<hbm>>, %arg5: memref<512xi32, #tpu.memory_space<vmem>>, %arg6: memref<512x128xf32, #tpu.memory_space<vmem>>, %arg7: memref<1001x128xf32, #tpu.memory_space<vmem_shared>>, %arg8: memref<8x!tpu.dma_semaphore, #tpu.memory_space<semaphore_mem>>, %arg9: memref<!tpu.dma_semaphore, #tpu.memory_space<semaphore_mem>>, %arg10: memref<!tpu.dma_semaphore, #tpu.memory_space<semaphore_mem>>, %arg11: memref<!tpu.dma_semaphore, #tpu.memory_space<semaphore_mem>>) attributes {dimension_semantics = [#tpu.dimension_semantics<core_parallel>, #tpu.dimension_semantics<subcore_parallel>], iteration_bounds = array<i64: 2, 16>, scalar_prefetch = 0 : i64, scratch_operands = 7 : i64, tpu.core_type = #tpu.core_type<sc_vector_subcore>, window_params = [{transform_indices = #map}, {transform_indices = #map1}, {transform_indices = #map}]} {
    %mul3A = arith.constant 2 : i32
    %mul3A_0 = arith.muli %arg1, %mul3A : i32
    %add3A = arith.addi %mul3A_0, %arg0 : i32
    %mul3A_1 = arith.constant 512 : i32
    %mul3A_2 = arith.muli %add3A, %mul3A_1 : i32
    %dma_start3A = tpu.memref_slice %arg3[%mul3A_2] : memref<16384xi32, #tpu.memory_space<hbm>> -> memref<512xi32, #tpu.memory_space<hbm>>
    %dma_start3A_3 = tpu.memref_slice %arg3[%mul3A_2] : memref<16384xi32, #tpu.memory_space<hbm>> -> memref<512xi32, #tpu.memory_space<hbm>>
    tpu.enqueue_dma source(%dma_start3A_3 : memref<512xi32, #tpu.memory_space<hbm>>) target(%arg5 : memref<512xi32, #tpu.memory_space<vmem>>) target_semaphore(%arg10 : memref<!tpu.dma_semaphore, #tpu.memory_space<semaphore_mem>>)
    %mul3A_4 = arith.constant 64 : i32
    %mul3A_5 = arith.muli %arg1, %mul3A_4 : i32
    %min3A = arith.constant 936 : i32
    %min3A_6 = arith.minsi %mul3A_5, %min3A : i32
    %multiple_of3A = tpu.assume_multiple %min3A_6, 8 : i32
    %dma_start3A_7 = arith.constant 0 : i32
    %dma_start3A_8 = tpu.memref_slice %arg7[%multiple_of3A, %dma_start3A_7] : memref<1001x128xf32, #tpu.memory_space<vmem_shared>> -> memref<64x128xf32, #tpu.memory_space<vmem_shared>>
    %dma_start3A_9 = arith.constant 0 : i32
    %dma_start3A_10 = tpu.memref_slice %arg2[%multiple_of3A, %dma_start3A_9] : memref<1001x128xf32, #tpu.memory_space<hbm>> -> memref<64x128xf32, #tpu.memory_space<hbm>>
    tpu.enqueue_dma source(%dma_start3A_10 : memref<64x128xf32, #tpu.memory_space<hbm>>) target(%dma_start3A_8 : memref<64x128xf32, #tpu.memory_space<vmem_shared>>) target_semaphore(%arg11 : memref<!tpu.dma_semaphore, #tpu.memory_space<semaphore_mem>>)
    %dma_wait3A = tpu.memref_slice %arg3[%mul3A_2] : memref<16384xi32, #tpu.memory_space<hbm>> -> memref<512xi32, #tpu.memory_space<hbm>>
    %dma_wait3A_11 = tpu.memref_slice %arg3[%mul3A_2] : memref<16384xi32, #tpu.memory_space<hbm>> -> memref<512xi32, #tpu.memory_space<hbm>>
    tpu.wait_dma2 semaphore(%arg10 : memref<!tpu.dma_semaphore, #tpu.memory_space<semaphore_mem>>) src(%dma_wait3A_11 : memref<512xi32, #tpu.memory_space<hbm>>) dst(%arg5 : memref<512xi32, #tpu.memory_space<vmem>>)
    %dma_start3A_12 = arith.constant 0 : i32
    %dma_start3A_13 = arith.constant 0 : i32
    %dma_start3A_14 = arith.constant 0 : i32
    %dma_start3A_15 = tpu.memref_slice %arg6[%dma_start3A_13, %dma_start3A_14] : memref<512x128xf32, #tpu.memory_space<vmem>> -> memref<64x128xf32, #tpu.memory_space<vmem>>
    %dma_start3A_16 = arith.constant 0 : i32
    %dma_start3A_17 = tpu.memref_slice %arg5[%dma_start3A_16] : memref<512xi32, #tpu.memory_space<vmem>> -> memref<64xi32, #tpu.memory_space<vmem>>
    %dma_start3A_18 = arith.constant 0 : i32
    %dma_start3A_19 = arith.constant 0 : i32
    %dma_start3A_20 = tpu.memref_slice %arg2[%dma_start3A_18, %dma_start3A_19] : memref<1001x128xf32, #tpu.memory_space<hbm>> -> memref<1001x128xf32, #tpu.memory_space<hbm>>
    %dma_start3A_21 = tpu.memref_slice %arg8[%dma_start3A_12] : memref<8x!tpu.dma_semaphore, #tpu.memory_space<semaphore_mem>> -> memref<1x!tpu.dma_semaphore, #tpu.memory_space<semaphore_mem>>
    %dma_start3A_22 = tpu.memref_squeeze %dma_start3A_21 : memref<1x!tpu.dma_semaphore, #tpu.memory_space<semaphore_mem>> -> memref<!tpu.dma_semaphore, #tpu.memory_space<semaphore_mem>>
    tpu.enqueue_indirect_dma source(%dma_start3A_20 : memref<1001x128xf32, #tpu.memory_space<hbm>>) target(%dma_start3A_15 : memref<64x128xf32, #tpu.memory_space<vmem>>) offsets(%dma_start3A_17 : memref<64xi32, #tpu.memory_space<vmem>>) semaphore(%dma_start3A_22 : memref<!tpu.dma_semaphore, #tpu.memory_space<semaphore_mem>>)
    %eq3A = arith.constant 0 : i32
    %eq3A_23 = arith.cmpi eq, %arg1, %eq3A : i32
    %convert_element_type3A = arith.extui %eq3A_23 : i1 to i32
    %cond3A = arith.constant 0 : i32
    %cond3A_24 = arith.cmpi ne, %convert_element_type3A, %cond3A : i32
    scf.if %cond3A_24 {
      "tpu.region"() ({
        %run_scoped3A = tpu.sem_alloc : memref<!tpu.dma_semaphore, #tpu.memory_space<semaphore_mem>>
        %dma_start3A_370 = arith.constant 1000 : i32
        %dma_start3A_371 = arith.constant 0 : i32
        %dma_start3A_372 = tpu.memref_slice %arg7[%dma_start3A_370, %dma_start3A_371] : memref<1001x128xf32, #tpu.memory_space<vmem_shared>> -> memref<1x128xf32, #tpu.memory_space<vmem_shared>>
        %dma_start3A_373 = arith.constant 1000 : i32
        %dma_start3A_374 = arith.constant 0 : i32
        %dma_start3A_375 = tpu.memref_slice %arg2[%dma_start3A_373, %dma_start3A_374] : memref<1001x128xf32, #tpu.memory_space<hbm>> -> memref<1x128xf32, #tpu.memory_space<hbm>>
        tpu.enqueue_dma source(%dma_start3A_375 : memref<1x128xf32, #tpu.memory_space<hbm>>) target(%dma_start3A_372 : memref<1x128xf32, #tpu.memory_space<vmem_shared>>) target_semaphore(%run_scoped3A : memref<!tpu.dma_semaphore, #tpu.memory_space<semaphore_mem>>)
        %dma_wait3A_376 = arith.constant 1000 : i32
        %dma_wait3A_377 = arith.constant 0 : i32
        %dma_wait3A_378 = tpu.memref_slice %arg7[%dma_wait3A_376, %dma_wait3A_377] : memref<1001x128xf32, #tpu.memory_space<vmem_shared>> -> memref<1x128xf32, #tpu.memory_space<vmem_shared>>
        %dma_wait3A_379 = arith.constant 1000 : i32
        %dma_wait3A_380 = arith.constant 0 : i32
        %dma_wait3A_381 = tpu.memref_slice %arg2[%dma_wait3A_379, %dma_wait3A_380] : memref<1001x128xf32, #tpu.memory_space<hbm>> -> memref<1x128xf32, #tpu.memory_space<hbm>>
        tpu.wait_dma2 semaphore(%run_scoped3A : memref<!tpu.dma_semaphore, #tpu.memory_space<semaphore_mem>>) src(%dma_wait3A_381 : memref<1x128xf32, #tpu.memory_space<hbm>>) dst(%dma_wait3A_378 : memref<1x128xf32, #tpu.memory_space<vmem_shared>>)
        tpu.yield
      }) : () -> ()
    } else {
    }
    %dma_wait3A_25 = arith.constant 0 : i32
    %dma_wait3A_26 = tpu.memref_slice %arg7[%multiple_of3A, %dma_wait3A_25] : memref<1001x128xf32, #tpu.memory_space<vmem_shared>> -> memref<64x128xf32, #tpu.memory_space<vmem_shared>>
    %dma_wait3A_27 = arith.constant 0 : i32
    %dma_wait3A_28 = tpu.memref_slice %arg2[%multiple_of3A, %dma_wait3A_27] : memref<1001x128xf32, #tpu.memory_space<hbm>> -> memref<64x128xf32, #tpu.memory_space<hbm>>
    tpu.wait_dma2 semaphore(%arg11 : memref<!tpu.dma_semaphore, #tpu.memory_space<semaphore_mem>>) src(%dma_wait3A_28 : memref<64x128xf32, #tpu.memory_space<hbm>>) dst(%dma_wait3A_26 : memref<64x128xf32, #tpu.memory_space<vmem_shared>>)
    %barrier3A = arith.constant 0 : index
    tpu.barrier barrier_id(%barrier3A)
    %dma_start3A_29 = arith.constant 1 : i32
    %dma_start3A_30 = arith.constant 64 : i32
    %dma_start3A_31 = arith.constant 0 : i32
    %dma_start3A_32 = tpu.memref_slice %arg6[%dma_start3A_30, %dma_start3A_31] : memref<512x128xf32, #tpu.memory_space<vmem>> -> memref<64x128xf32, #tpu.memory_space<vmem>>
    %dma_start3A_33 = arith.constant 64 : i32
    %dma_start3A_34 = tpu.memref_slice %arg5[%dma_start3A_33] : memref<512xi32, #tpu.memory_space<vmem>> -> memref<64xi32, #tpu.memory_space<vmem>>
    %dma_start3A_35 = arith.constant 0 : i32
    %dma_start3A_36 = arith.constant 0 : i32
    %dma_start3A_37 = tpu.memref_slice %arg7[%dma_start3A_35, %dma_start3A_36] : memref<1001x128xf32, #tpu.memory_space<vmem_shared>> -> memref<1001x128xf32, #tpu.memory_space<vmem_shared>>
    %dma_start3A_38 = tpu.memref_slice %arg8[%dma_start3A_29] : memref<8x!tpu.dma_semaphore, #tpu.memory_space<semaphore_mem>> -> memref<1x!tpu.dma_semaphore, #tpu.memory_space<semaphore_mem>>
    %dma_start3A_39 = tpu.memref_squeeze %dma_start3A_38 : memref<1x!tpu.dma_semaphore, #tpu.memory_space<semaphore_mem>> -> memref<!tpu.dma_semaphore, #tpu.memory_space<semaphore_mem>>
    tpu.enqueue_indirect_dma source(%dma_start3A_37 : memref<1001x128xf32, #tpu.memory_space<vmem_shared>>) target(%dma_start3A_32 : memref<64x128xf32, #tpu.memory_space<vmem>>) offsets(%dma_start3A_34 : memref<64xi32, #tpu.memory_space<vmem>>) semaphore(%dma_start3A_39 : memref<!tpu.dma_semaphore, #tpu.memory_space<semaphore_mem>>)
    %dma_start3A_40 = arith.constant 2 : i32
    %dma_start3A_41 = arith.constant 128 : i32
    %dma_start3A_42 = arith.constant 0 : i32
    %dma_start3A_43 = tpu.memref_slice %arg6[%dma_start3A_41, %dma_start3A_42] : memref<512x128xf32, #tpu.memory_space<vmem>> -> memref<64x128xf32, #tpu.memory_space<vmem>>
    %dma_start3A_44 = arith.constant 128 : i32
    %dma_start3A_45 = tpu.memref_slice %arg5[%dma_start3A_44] : memref<512xi32, #tpu.memory_space<vmem>> -> memref<64xi32, #tpu.memory_space<vmem>>
    %dma_start3A_46 = arith.constant 0 : i32
    %dma_start3A_47 = arith.constant 0 : i32
    %dma_start3A_48 = tpu.memref_slice %arg7[%dma_start3A_46, %dma_start3A_47] : memref<1001x128xf32, #tpu.memory_space<vmem_shared>> -> memref<1001x128xf32, #tpu.memory_space<vmem_shared>>
    %dma_start3A_49 = tpu.memref_slice %arg8[%dma_start3A_40] : memref<8x!tpu.dma_semaphore, #tpu.memory_space<semaphore_mem>> -> memref<1x!tpu.dma_semaphore, #tpu.memory_space<semaphore_mem>>
    %dma_start3A_50 = tpu.memref_squeeze %dma_start3A_49 : memref<1x!tpu.dma_semaphore, #tpu.memory_space<semaphore_mem>> -> memref<!tpu.dma_semaphore, #tpu.memory_space<semaphore_mem>>
    tpu.enqueue_indirect_dma source(%dma_start3A_48 : memref<1001x128xf32, #tpu.memory_space<vmem_shared>>) target(%dma_start3A_43 : memref<64x128xf32, #tpu.memory_space<vmem>>) offsets(%dma_start3A_45 : memref<64xi32, #tpu.memory_space<vmem>>) semaphore(%dma_start3A_50 : memref<!tpu.dma_semaphore, #tpu.memory_space<semaphore_mem>>)
    %dma_start3A_51 = arith.constant 3 : i32
    %dma_start3A_52 = arith.constant 192 : i32
    %dma_start3A_53 = arith.constant 0 : i32
    %dma_start3A_54 = tpu.memref_slice %arg6[%dma_start3A_52, %dma_start3A_53] : memref<512x128xf32, #tpu.memory_space<vmem>> -> memref<64x128xf32, #tpu.memory_space<vmem>>
    %dma_start3A_55 = arith.constant 192 : i32
    %dma_start3A_56 = tpu.memref_slice %arg5[%dma_start3A_55] : memref<512xi32, #tpu.memory_space<vmem>> -> memref<64xi32, #tpu.memory_space<vmem>>
    %dma_start3A_57 = arith.constant 0 : i32
    %dma_start3A_58 = arith.constant 0 : i32
    %dma_start3A_59 = tpu.memref_slice %arg7[%dma_start3A_57, %dma_start3A_58] : memref<1001x128xf32, #tpu.memory_space<vmem_shared>> -> memref<1001x128xf32, #tpu.memory_space<vmem_shared>>
    %dma_start3A_60 = tpu.memref_slice %arg8[%dma_start3A_51] : memref<8x!tpu.dma_semaphore, #tpu.memory_space<semaphore_mem>> -> memref<1x!tpu.dma_semaphore, #tpu.memory_space<semaphore_mem>>
    %dma_start3A_61 = tpu.memref_squeeze %dma_start3A_60 : memref<1x!tpu.dma_semaphore, #tpu.memory_space<semaphore_mem>> -> memref<!tpu.dma_semaphore, #tpu.memory_space<semaphore_mem>>
    tpu.enqueue_indirect_dma source(%dma_start3A_59 : memref<1001x128xf32, #tpu.memory_space<vmem_shared>>) target(%dma_start3A_54 : memref<64x128xf32, #tpu.memory_space<vmem>>) offsets(%dma_start3A_56 : memref<64xi32, #tpu.memory_space<vmem>>) semaphore(%dma_start3A_61 : memref<!tpu.dma_semaphore, #tpu.memory_space<semaphore_mem>>)
    %dma_start3A_62 = arith.constant 4 : i32
    %dma_start3A_63 = arith.constant 256 : i32
    %dma_start3A_64 = arith.constant 0 : i32
    %dma_start3A_65 = tpu.memref_slice %arg6[%dma_start3A_63, %dma_start3A_64] : memref<512x128xf32, #tpu.memory_space<vmem>> -> memref<64x128xf32, #tpu.memory_space<vmem>>
    %dma_start3A_66 = arith.constant 256 : i32
    %dma_start3A_67 = tpu.memref_slice %arg5[%dma_start3A_66] : memref<512xi32, #tpu.memory_space<vmem>> -> memref<64xi32, #tpu.memory_space<vmem>>
    %dma_start3A_68 = arith.constant 0 : i32
    %dma_start3A_69 = arith.constant 0 : i32
    %dma_start3A_70 = tpu.memref_slice %arg7[%dma_start3A_68, %dma_start3A_69] : memref<1001x128xf32, #tpu.memory_space<vmem_shared>> -> memref<1001x128xf32, #tpu.memory_space<vmem_shared>>
    %dma_start3A_71 = tpu.memref_slice %arg8[%dma_start3A_62] : memref<8x!tpu.dma_semaphore, #tpu.memory_space<semaphore_mem>> -> memref<1x!tpu.dma_semaphore, #tpu.memory_space<semaphore_mem>>
    %dma_start3A_72 = tpu.memref_squeeze %dma_start3A_71 : memref<1x!tpu.dma_semaphore, #tpu.memory_space<semaphore_mem>> -> memref<!tpu.dma_semaphore, #tpu.memory_space<semaphore_mem>>
    tpu.enqueue_indirect_dma source(%dma_start3A_70 : memref<1001x128xf32, #tpu.memory_space<vmem_shared>>) target(%dma_start3A_65 : memref<64x128xf32, #tpu.memory_space<vmem>>) offsets(%dma_start3A_67 : memref<64xi32, #tpu.memory_space<vmem>>) semaphore(%dma_start3A_72 : memref<!tpu.dma_semaphore, #tpu.memory_space<semaphore_mem>>)
    %dma_start3A_73 = arith.constant 5 : i32
    %dma_start3A_74 = arith.constant 320 : i32
    %dma_start3A_75 = arith.constant 0 : i32
    %dma_start3A_76 = tpu.memref_slice %arg6[%dma_start3A_74, %dma_start3A_75] : memref<512x128xf32, #tpu.memory_space<vmem>> -> memref<64x128xf32, #tpu.memory_space<vmem>>
    %dma_start3A_77 = arith.constant 320 : i32
    %dma_start3A_78 = tpu.memref_slice %arg5[%dma_start3A_77] : memref<512xi32, #tpu.memory_space<vmem>> -> memref<64xi32, #tpu.memory_space<vmem>>
    %dma_start3A_79 = arith.constant 0 : i32
    %dma_start3A_80 = arith.constant 0 : i32
    %dma_start3A_81 = tpu.memref_slice %arg7[%dma_start3A_79, %dma_start3A_80] : memref<1001x128xf32, #tpu.memory_space<vmem_shared>> -> memref<1001x128xf32, #tpu.memory_space<vmem_shared>>
    %dma_start3A_82 = tpu.memref_slice %arg8[%dma_start3A_73] : memref<8x!tpu.dma_semaphore, #tpu.memory_space<semaphore_mem>> -> memref<1x!tpu.dma_semaphore, #tpu.memory_space<semaphore_mem>>
    %dma_start3A_83 = tpu.memref_squeeze %dma_start3A_82 : memref<1x!tpu.dma_semaphore, #tpu.memory_space<semaphore_mem>> -> memref<!tpu.dma_semaphore, #tpu.memory_space<semaphore_mem>>
    tpu.enqueue_indirect_dma source(%dma_start3A_81 : memref<1001x128xf32, #tpu.memory_space<vmem_shared>>) target(%dma_start3A_76 : memref<64x128xf32, #tpu.memory_space<vmem>>) offsets(%dma_start3A_78 : memref<64xi32, #tpu.memory_space<vmem>>) semaphore(%dma_start3A_83 : memref<!tpu.dma_semaphore, #tpu.memory_space<semaphore_mem>>)
    %dma_start3A_84 = arith.constant 6 : i32
    %dma_start3A_85 = arith.constant 384 : i32
    %dma_start3A_86 = arith.constant 0 : i32
    %dma_start3A_87 = tpu.memref_slice %arg6[%dma_start3A_85, %dma_start3A_86] : memref<512x128xf32, #tpu.memory_space<vmem>> -> memref<64x128xf32, #tpu.memory_space<vmem>>
    %dma_start3A_88 = arith.constant 384 : i32
    %dma_start3A_89 = tpu.memref_slice %arg5[%dma_start3A_88] : memref<512xi32, #tpu.memory_space<vmem>> -> memref<64xi32, #tpu.memory_space<vmem>>
    %dma_start3A_90 = arith.constant 0 : i32
    %dma_start3A_91 = arith.constant 0 : i32
    %dma_start3A_92 = tpu.memref_slice %arg7[%dma_start3A_90, %dma_start3A_91] : memref<1001x128xf32, #tpu.memory_space<vmem_shared>> -> memref<1001x128xf32, #tpu.memory_space<vmem_shared>>
    %dma_start3A_93 = tpu.memref_slice %arg8[%dma_start3A_84] : memref<8x!tpu.dma_semaphore, #tpu.memory_space<semaphore_mem>> -> memref<1x!tpu.dma_semaphore, #tpu.memory_space<semaphore_mem>>
    %dma_start3A_94 = tpu.memref_squeeze %dma_start3A_93 : memref<1x!tpu.dma_semaphore, #tpu.memory_space<semaphore_mem>> -> memref<!tpu.dma_semaphore, #tpu.memory_space<semaphore_mem>>
    tpu.enqueue_indirect_dma source(%dma_start3A_92 : memref<1001x128xf32, #tpu.memory_space<vmem_shared>>) target(%dma_start3A_87 : memref<64x128xf32, #tpu.memory_space<vmem>>) offsets(%dma_start3A_89 : memref<64xi32, #tpu.memory_space<vmem>>) semaphore(%dma_start3A_94 : memref<!tpu.dma_semaphore, #tpu.memory_space<semaphore_mem>>)
    %dma_start3A_95 = arith.constant 7 : i32
    %dma_start3A_96 = arith.constant 448 : i32
    %dma_start3A_97 = arith.constant 0 : i32
    %dma_start3A_98 = tpu.memref_slice %arg6[%dma_start3A_96, %dma_start3A_97] : memref<512x128xf32, #tpu.memory_space<vmem>> -> memref<64x128xf32, #tpu.memory_space<vmem>>
    %dma_start3A_99 = arith.constant 448 : i32
    %dma_start3A_100 = tpu.memref_slice %arg5[%dma_start3A_99] : memref<512xi32, #tpu.memory_space<vmem>> -> memref<64xi32, #tpu.memory_space<vmem>>
    %dma_start3A_101 = arith.constant 0 : i32
    %dma_start3A_102 = arith.constant 0 : i32
    %dma_start3A_103 = tpu.memref_slice %arg7[%dma_start3A_101, %dma_start3A_102] : memref<1001x128xf32, #tpu.memory_space<vmem_shared>> -> memref<1001x128xf32, #tpu.memory_space<vmem_shared>>
    %dma_start3A_104 = tpu.memref_slice %arg8[%dma_start3A_95] : memref<8x!tpu.dma_semaphore, #tpu.memory_space<semaphore_mem>> -> memref<1x!tpu.dma_semaphore, #tpu.memory_space<semaphore_mem>>
    %dma_start3A_105 = tpu.memref_squeeze %dma_start3A_104 : memref<1x!tpu.dma_semaphore, #tpu.memory_space<semaphore_mem>> -> memref<!tpu.dma_semaphore, #tpu.memory_space<semaphore_mem>>
    tpu.enqueue_indirect_dma source(%dma_start3A_103 : memref<1001x128xf32, #tpu.memory_space<vmem_shared>>) target(%dma_start3A_98 : memref<64x128xf32, #tpu.memory_space<vmem>>) offsets(%dma_start3A_100 : memref<64xi32, #tpu.memory_space<vmem>>) semaphore(%dma_start3A_105 : memref<!tpu.dma_semaphore, #tpu.memory_space<semaphore_mem>>)
    %dma_wait3A_106 = arith.constant 0 : i32
    %dma_wait3A_107 = arith.constant 0 : i32
    %dma_wait3A_108 = arith.constant 0 : i32
    %dma_wait3A_109 = tpu.memref_slice %arg6[%dma_wait3A_107, %dma_wait3A_108] : memref<512x128xf32, #tpu.memory_space<vmem>> -> memref<64x128xf32, #tpu.memory_space<vmem>>
    %dma_wait3A_110 = arith.constant 0 : i32
    %dma_wait3A_111 = tpu.memref_slice %arg5[%dma_wait3A_110] : memref<512xi32, #tpu.memory_space<vmem>> -> memref<64xi32, #tpu.memory_space<vmem>>
    %dma_wait3A_112 = arith.constant 0 : i32
    %dma_wait3A_113 = arith.constant 0 : i32
    %dma_wait3A_114 = tpu.memref_slice %arg2[%dma_wait3A_112, %dma_wait3A_113] : memref<1001x128xf32, #tpu.memory_space<hbm>> -> memref<1001x128xf32, #tpu.memory_space<hbm>>
    %dma_wait3A_115 = tpu.memref_slice %arg8[%dma_wait3A_106] : memref<8x!tpu.dma_semaphore, #tpu.memory_space<semaphore_mem>> -> memref<1x!tpu.dma_semaphore, #tpu.memory_space<semaphore_mem>>
    %dma_wait3A_116 = tpu.memref_squeeze %dma_wait3A_115 : memref<1x!tpu.dma_semaphore, #tpu.memory_space<semaphore_mem>> -> memref<!tpu.dma_semaphore, #tpu.memory_space<semaphore_mem>>
    tpu.wait_indirect_dma semaphore(%dma_wait3A_116 : memref<!tpu.dma_semaphore, #tpu.memory_space<semaphore_mem>>) src(%dma_wait3A_114 : memref<1001x128xf32, #tpu.memory_space<hbm>>) dst(%dma_wait3A_109 : memref<64x128xf32, #tpu.memory_space<vmem>>)
    %add3A_117 = arith.constant 0 : i32
    %add3A_118 = arith.addi %mul3A_2, %add3A_117 : i32
    %dma_start3A_119 = arith.constant 0 : i32
    %dma_start3A_120 = arith.constant 0 : i32
    %dma_start3A_121 = tpu.memref_slice %arg6[%dma_start3A_119, %dma_start3A_120] : memref<512x128xf32, #tpu.memory_space<vmem>> -> memref<64x128xf32, #tpu.memory_space<vmem>>
    %dma_start3A_122 = arith.constant 0 : i32
    %dma_start3A_123 = tpu.memref_slice %arg4[%add3A_118, %dma_start3A_122] : memref<16384x128xf32, #tpu.memory_space<hbm>> -> memref<64x128xf32, #tpu.memory_space<hbm>>
    %dma_start3A_124 = arith.constant 0 : i32
    %dma_start3A_125 = tpu.memref_slice %arg4[%add3A_118, %dma_start3A_124] : memref<16384x128xf32, #tpu.memory_space<hbm>> -> memref<64x128xf32, #tpu.memory_space<hbm>>
    %dma_start3A_126 = arith.constant 0 : i32
    %dma_start3A_127 = arith.constant 0 : i32
    %dma_start3A_128 = tpu.memref_slice %arg6[%dma_start3A_126, %dma_start3A_127] : memref<512x128xf32, #tpu.memory_space<vmem>> -> memref<64x128xf32, #tpu.memory_space<vmem>>
    tpu.enqueue_dma source(%dma_start3A_128 : memref<64x128xf32, #tpu.memory_space<vmem>>) target(%dma_start3A_125 : memref<64x128xf32, #tpu.memory_space<hbm>>) target_semaphore(%arg9 : memref<!tpu.dma_semaphore, #tpu.memory_space<semaphore_mem>>)
    %dma_wait3A_129 = arith.constant 1 : i32
    %dma_wait3A_130 = arith.constant 64 : i32
    %dma_wait3A_131 = arith.constant 0 : i32
    %dma_wait3A_132 = tpu.memref_slice %arg6[%dma_wait3A_130, %dma_wait3A_131] : memref<512x128xf32, #tpu.memory_space<vmem>> -> memref<64x128xf32, #tpu.memory_space<vmem>>
    %dma_wait3A_133 = arith.constant 64 : i32
    %dma_wait3A_134 = tpu.memref_slice %arg5[%dma_wait3A_133] : memref<512xi32, #tpu.memory_space<vmem>> -> memref<64xi32, #tpu.memory_space<vmem>>
    %dma_wait3A_135 = arith.constant 0 : i32
    %dma_wait3A_136 = arith.constant 0 : i32
    %dma_wait3A_137 = tpu.memref_slice %arg7[%dma_wait3A_135, %dma_wait3A_136] : memref<1001x128xf32, #tpu.memory_space<vmem_shared>> -> memref<1001x128xf32, #tpu.memory_space<vmem_shared>>
    %dma_wait3A_138 = tpu.memref_slice %arg8[%dma_wait3A_129] : memref<8x!tpu.dma_semaphore, #tpu.memory_space<semaphore_mem>> -> memref<1x!tpu.dma_semaphore, #tpu.memory_space<semaphore_mem>>
    %dma_wait3A_139 = tpu.memref_squeeze %dma_wait3A_138 : memref<1x!tpu.dma_semaphore, #tpu.memory_space<semaphore_mem>> -> memref<!tpu.dma_semaphore, #tpu.memory_space<semaphore_mem>>
    tpu.wait_indirect_dma semaphore(%dma_wait3A_139 : memref<!tpu.dma_semaphore, #tpu.memory_space<semaphore_mem>>) src(%dma_wait3A_137 : memref<1001x128xf32, #tpu.memory_space<vmem_shared>>) dst(%dma_wait3A_132 : memref<64x128xf32, #tpu.memory_space<vmem>>)
    %add3A_140 = arith.constant 64 : i32
    %add3A_141 = arith.addi %mul3A_2, %add3A_140 : i32
    %dma_start3A_142 = arith.constant 64 : i32
    %dma_start3A_143 = arith.constant 0 : i32
    %dma_start3A_144 = tpu.memref_slice %arg6[%dma_start3A_142, %dma_start3A_143] : memref<512x128xf32, #tpu.memory_space<vmem>> -> memref<64x128xf32, #tpu.memory_space<vmem>>
    %dma_start3A_145 = arith.constant 0 : i32
    %dma_start3A_146 = tpu.memref_slice %arg4[%add3A_141, %dma_start3A_145] : memref<16384x128xf32, #tpu.memory_space<hbm>> -> memref<64x128xf32, #tpu.memory_space<hbm>>
    %dma_start3A_147 = arith.constant 0 : i32
    %dma_start3A_148 = tpu.memref_slice %arg4[%add3A_141, %dma_start3A_147] : memref<16384x128xf32, #tpu.memory_space<hbm>> -> memref<64x128xf32, #tpu.memory_space<hbm>>
    %dma_start3A_149 = arith.constant 64 : i32
    %dma_start3A_150 = arith.constant 0 : i32
    %dma_start3A_151 = tpu.memref_slice %arg6[%dma_start3A_149, %dma_start3A_150] : memref<512x128xf32, #tpu.memory_space<vmem>> -> memref<64x128xf32, #tpu.memory_space<vmem>>
    tpu.enqueue_dma source(%dma_start3A_151 : memref<64x128xf32, #tpu.memory_space<vmem>>) target(%dma_start3A_148 : memref<64x128xf32, #tpu.memory_space<hbm>>) target_semaphore(%arg9 : memref<!tpu.dma_semaphore, #tpu.memory_space<semaphore_mem>>)
    %dma_wait3A_152 = arith.constant 2 : i32
    %dma_wait3A_153 = arith.constant 128 : i32
    %dma_wait3A_154 = arith.constant 0 : i32
    %dma_wait3A_155 = tpu.memref_slice %arg6[%dma_wait3A_153, %dma_wait3A_154] : memref<512x128xf32, #tpu.memory_space<vmem>> -> memref<64x128xf32, #tpu.memory_space<vmem>>
    %dma_wait3A_156 = arith.constant 128 : i32
    %dma_wait3A_157 = tpu.memref_slice %arg5[%dma_wait3A_156] : memref<512xi32, #tpu.memory_space<vmem>> -> memref<64xi32, #tpu.memory_space<vmem>>
    %dma_wait3A_158 = arith.constant 0 : i32
    %dma_wait3A_159 = arith.constant 0 : i32
    %dma_wait3A_160 = tpu.memref_slice %arg7[%dma_wait3A_158, %dma_wait3A_159] : memref<1001x128xf32, #tpu.memory_space<vmem_shared>> -> memref<1001x128xf32, #tpu.memory_space<vmem_shared>>
    %dma_wait3A_161 = tpu.memref_slice %arg8[%dma_wait3A_152] : memref<8x!tpu.dma_semaphore, #tpu.memory_space<semaphore_mem>> -> memref<1x!tpu.dma_semaphore, #tpu.memory_space<semaphore_mem>>
    %dma_wait3A_162 = tpu.memref_squeeze %dma_wait3A_161 : memref<1x!tpu.dma_semaphore, #tpu.memory_space<semaphore_mem>> -> memref<!tpu.dma_semaphore, #tpu.memory_space<semaphore_mem>>
    tpu.wait_indirect_dma semaphore(%dma_wait3A_162 : memref<!tpu.dma_semaphore, #tpu.memory_space<semaphore_mem>>) src(%dma_wait3A_160 : memref<1001x128xf32, #tpu.memory_space<vmem_shared>>) dst(%dma_wait3A_155 : memref<64x128xf32, #tpu.memory_space<vmem>>)
    %add3A_163 = arith.constant 128 : i32
    %add3A_164 = arith.addi %mul3A_2, %add3A_163 : i32
    %dma_start3A_165 = arith.constant 128 : i32
    %dma_start3A_166 = arith.constant 0 : i32
    %dma_start3A_167 = tpu.memref_slice %arg6[%dma_start3A_165, %dma_start3A_166] : memref<512x128xf32, #tpu.memory_space<vmem>> -> memref<64x128xf32, #tpu.memory_space<vmem>>
    %dma_start3A_168 = arith.constant 0 : i32
    %dma_start3A_169 = tpu.memref_slice %arg4[%add3A_164, %dma_start3A_168] : memref<16384x128xf32, #tpu.memory_space<hbm>> -> memref<64x128xf32, #tpu.memory_space<hbm>>
    %dma_start3A_170 = arith.constant 0 : i32
    %dma_start3A_171 = tpu.memref_slice %arg4[%add3A_164, %dma_start3A_170] : memref<16384x128xf32, #tpu.memory_space<hbm>> -> memref<64x128xf32, #tpu.memory_space<hbm>>
    %dma_start3A_172 = arith.constant 128 : i32
    %dma_start3A_173 = arith.constant 0 : i32
    %dma_start3A_174 = tpu.memref_slice %arg6[%dma_start3A_172, %dma_start3A_173] : memref<512x128xf32, #tpu.memory_space<vmem>> -> memref<64x128xf32, #tpu.memory_space<vmem>>
    tpu.enqueue_dma source(%dma_start3A_174 : memref<64x128xf32, #tpu.memory_space<vmem>>) target(%dma_start3A_171 : memref<64x128xf32, #tpu.memory_space<hbm>>) target_semaphore(%arg9 : memref<!tpu.dma_semaphore, #tpu.memory_space<semaphore_mem>>)
    %dma_wait3A_175 = arith.constant 3 : i32
    %dma_wait3A_176 = arith.constant 192 : i32
    %dma_wait3A_177 = arith.constant 0 : i32
    %dma_wait3A_178 = tpu.memref_slice %arg6[%dma_wait3A_176, %dma_wait3A_177] : memref<512x128xf32, #tpu.memory_space<vmem>> -> memref<64x128xf32, #tpu.memory_space<vmem>>
    %dma_wait3A_179 = arith.constant 192 : i32
    %dma_wait3A_180 = tpu.memref_slice %arg5[%dma_wait3A_179] : memref<512xi32, #tpu.memory_space<vmem>> -> memref<64xi32, #tpu.memory_space<vmem>>
    %dma_wait3A_181 = arith.constant 0 : i32
    %dma_wait3A_182 = arith.constant 0 : i32
    %dma_wait3A_183 = tpu.memref_slice %arg7[%dma_wait3A_181, %dma_wait3A_182] : memref<1001x128xf32, #tpu.memory_space<vmem_shared>> -> memref<1001x128xf32, #tpu.memory_space<vmem_shared>>
    %dma_wait3A_184 = tpu.memref_slice %arg8[%dma_wait3A_175] : memref<8x!tpu.dma_semaphore, #tpu.memory_space<semaphore_mem>> -> memref<1x!tpu.dma_semaphore, #tpu.memory_space<semaphore_mem>>
    %dma_wait3A_185 = tpu.memref_squeeze %dma_wait3A_184 : memref<1x!tpu.dma_semaphore, #tpu.memory_space<semaphore_mem>> -> memref<!tpu.dma_semaphore, #tpu.memory_space<semaphore_mem>>
    tpu.wait_indirect_dma semaphore(%dma_wait3A_185 : memref<!tpu.dma_semaphore, #tpu.memory_space<semaphore_mem>>) src(%dma_wait3A_183 : memref<1001x128xf32, #tpu.memory_space<vmem_shared>>) dst(%dma_wait3A_178 : memref<64x128xf32, #tpu.memory_space<vmem>>)
    %add3A_186 = arith.constant 192 : i32
    %add3A_187 = arith.addi %mul3A_2, %add3A_186 : i32
    %dma_start3A_188 = arith.constant 192 : i32
    %dma_start3A_189 = arith.constant 0 : i32
    %dma_start3A_190 = tpu.memref_slice %arg6[%dma_start3A_188, %dma_start3A_189] : memref<512x128xf32, #tpu.memory_space<vmem>> -> memref<64x128xf32, #tpu.memory_space<vmem>>
    %dma_start3A_191 = arith.constant 0 : i32
    %dma_start3A_192 = tpu.memref_slice %arg4[%add3A_187, %dma_start3A_191] : memref<16384x128xf32, #tpu.memory_space<hbm>> -> memref<64x128xf32, #tpu.memory_space<hbm>>
    %dma_start3A_193 = arith.constant 0 : i32
    %dma_start3A_194 = tpu.memref_slice %arg4[%add3A_187, %dma_start3A_193] : memref<16384x128xf32, #tpu.memory_space<hbm>> -> memref<64x128xf32, #tpu.memory_space<hbm>>
    %dma_start3A_195 = arith.constant 192 : i32
    %dma_start3A_196 = arith.constant 0 : i32
    %dma_start3A_197 = tpu.memref_slice %arg6[%dma_start3A_195, %dma_start3A_196] : memref<512x128xf32, #tpu.memory_space<vmem>> -> memref<64x128xf32, #tpu.memory_space<vmem>>
    tpu.enqueue_dma source(%dma_start3A_197 : memref<64x128xf32, #tpu.memory_space<vmem>>) target(%dma_start3A_194 : memref<64x128xf32, #tpu.memory_space<hbm>>) target_semaphore(%arg9 : memref<!tpu.dma_semaphore, #tpu.memory_space<semaphore_mem>>)
    %dma_wait3A_198 = arith.constant 4 : i32
    %dma_wait3A_199 = arith.constant 256 : i32
    %dma_wait3A_200 = arith.constant 0 : i32
    %dma_wait3A_201 = tpu.memref_slice %arg6[%dma_wait3A_199, %dma_wait3A_200] : memref<512x128xf32, #tpu.memory_space<vmem>> -> memref<64x128xf32, #tpu.memory_space<vmem>>
    %dma_wait3A_202 = arith.constant 256 : i32
    %dma_wait3A_203 = tpu.memref_slice %arg5[%dma_wait3A_202] : memref<512xi32, #tpu.memory_space<vmem>> -> memref<64xi32, #tpu.memory_space<vmem>>
    %dma_wait3A_204 = arith.constant 0 : i32
    %dma_wait3A_205 = arith.constant 0 : i32
    %dma_wait3A_206 = tpu.memref_slice %arg7[%dma_wait3A_204, %dma_wait3A_205] : memref<1001x128xf32, #tpu.memory_space<vmem_shared>> -> memref<1001x128xf32, #tpu.memory_space<vmem_shared>>
    %dma_wait3A_207 = tpu.memref_slice %arg8[%dma_wait3A_198] : memref<8x!tpu.dma_semaphore, #tpu.memory_space<semaphore_mem>> -> memref<1x!tpu.dma_semaphore, #tpu.memory_space<semaphore_mem>>
    %dma_wait3A_208 = tpu.memref_squeeze %dma_wait3A_207 : memref<1x!tpu.dma_semaphore, #tpu.memory_space<semaphore_mem>> -> memref<!tpu.dma_semaphore, #tpu.memory_space<semaphore_mem>>
    tpu.wait_indirect_dma semaphore(%dma_wait3A_208 : memref<!tpu.dma_semaphore, #tpu.memory_space<semaphore_mem>>) src(%dma_wait3A_206 : memref<1001x128xf32, #tpu.memory_space<vmem_shared>>) dst(%dma_wait3A_201 : memref<64x128xf32, #tpu.memory_space<vmem>>)
    %add3A_209 = arith.constant 256 : i32
    %add3A_210 = arith.addi %mul3A_2, %add3A_209 : i32
    %dma_start3A_211 = arith.constant 256 : i32
    %dma_start3A_212 = arith.constant 0 : i32
    %dma_start3A_213 = tpu.memref_slice %arg6[%dma_start3A_211, %dma_start3A_212] : memref<512x128xf32, #tpu.memory_space<vmem>> -> memref<64x128xf32, #tpu.memory_space<vmem>>
    %dma_start3A_214 = arith.constant 0 : i32
    %dma_start3A_215 = tpu.memref_slice %arg4[%add3A_210, %dma_start3A_214] : memref<16384x128xf32, #tpu.memory_space<hbm>> -> memref<64x128xf32, #tpu.memory_space<hbm>>
    %dma_start3A_216 = arith.constant 0 : i32
    %dma_start3A_217 = tpu.memref_slice %arg4[%add3A_210, %dma_start3A_216] : memref<16384x128xf32, #tpu.memory_space<hbm>> -> memref<64x128xf32, #tpu.memory_space<hbm>>
    %dma_start3A_218 = arith.constant 256 : i32
    %dma_start3A_219 = arith.constant 0 : i32
    %dma_start3A_220 = tpu.memref_slice %arg6[%dma_start3A_218, %dma_start3A_219] : memref<512x128xf32, #tpu.memory_space<vmem>> -> memref<64x128xf32, #tpu.memory_space<vmem>>
    tpu.enqueue_dma source(%dma_start3A_220 : memref<64x128xf32, #tpu.memory_space<vmem>>) target(%dma_start3A_217 : memref<64x128xf32, #tpu.memory_space<hbm>>) target_semaphore(%arg9 : memref<!tpu.dma_semaphore, #tpu.memory_space<semaphore_mem>>)
    %dma_wait3A_221 = arith.constant 5 : i32
    %dma_wait3A_222 = arith.constant 320 : i32
    %dma_wait3A_223 = arith.constant 0 : i32
    %dma_wait3A_224 = tpu.memref_slice %arg6[%dma_wait3A_222, %dma_wait3A_223] : memref<512x128xf32, #tpu.memory_space<vmem>> -> memref<64x128xf32, #tpu.memory_space<vmem>>
    %dma_wait3A_225 = arith.constant 320 : i32
    %dma_wait3A_226 = tpu.memref_slice %arg5[%dma_wait3A_225] : memref<512xi32, #tpu.memory_space<vmem>> -> memref<64xi32, #tpu.memory_space<vmem>>
    %dma_wait3A_227 = arith.constant 0 : i32
    %dma_wait3A_228 = arith.constant 0 : i32
    %dma_wait3A_229 = tpu.memref_slice %arg7[%dma_wait3A_227, %dma_wait3A_228] : memref<1001x128xf32, #tpu.memory_space<vmem_shared>> -> memref<1001x128xf32, #tpu.memory_space<vmem_shared>>
    %dma_wait3A_230 = tpu.memref_slice %arg8[%dma_wait3A_221] : memref<8x!tpu.dma_semaphore, #tpu.memory_space<semaphore_mem>> -> memref<1x!tpu.dma_semaphore, #tpu.memory_space<semaphore_mem>>
    %dma_wait3A_231 = tpu.memref_squeeze %dma_wait3A_230 : memref<1x!tpu.dma_semaphore, #tpu.memory_space<semaphore_mem>> -> memref<!tpu.dma_semaphore, #tpu.memory_space<semaphore_mem>>
    tpu.wait_indirect_dma semaphore(%dma_wait3A_231 : memref<!tpu.dma_semaphore, #tpu.memory_space<semaphore_mem>>) src(%dma_wait3A_229 : memref<1001x128xf32, #tpu.memory_space<vmem_shared>>) dst(%dma_wait3A_224 : memref<64x128xf32, #tpu.memory_space<vmem>>)
    %add3A_232 = arith.constant 320 : i32
    %add3A_233 = arith.addi %mul3A_2, %add3A_232 : i32
    %dma_start3A_234 = arith.constant 320 : i32
    %dma_start3A_235 = arith.constant 0 : i32
    %dma_start3A_236 = tpu.memref_slice %arg6[%dma_start3A_234, %dma_start3A_235] : memref<512x128xf32, #tpu.memory_space<vmem>> -> memref<64x128xf32, #tpu.memory_space<vmem>>
    %dma_start3A_237 = arith.constant 0 : i32
    %dma_start3A_238 = tpu.memref_slice %arg4[%add3A_233, %dma_start3A_237] : memref<16384x128xf32, #tpu.memory_space<hbm>> -> memref<64x128xf32, #tpu.memory_space<hbm>>
    %dma_start3A_239 = arith.constant 0 : i32
    %dma_start3A_240 = tpu.memref_slice %arg4[%add3A_233, %dma_start3A_239] : memref<16384x128xf32, #tpu.memory_space<hbm>> -> memref<64x128xf32, #tpu.memory_space<hbm>>
    %dma_start3A_241 = arith.constant 320 : i32
    %dma_start3A_242 = arith.constant 0 : i32
    %dma_start3A_243 = tpu.memref_slice %arg6[%dma_start3A_241, %dma_start3A_242] : memref<512x128xf32, #tpu.memory_space<vmem>> -> memref<64x128xf32, #tpu.memory_space<vmem>>
    tpu.enqueue_dma source(%dma_start3A_243 : memref<64x128xf32, #tpu.memory_space<vmem>>) target(%dma_start3A_240 : memref<64x128xf32, #tpu.memory_space<hbm>>) target_semaphore(%arg9 : memref<!tpu.dma_semaphore, #tpu.memory_space<semaphore_mem>>)
    %dma_wait3A_244 = arith.constant 6 : i32
    %dma_wait3A_245 = arith.constant 384 : i32
    %dma_wait3A_246 = arith.constant 0 : i32
    %dma_wait3A_247 = tpu.memref_slice %arg6[%dma_wait3A_245, %dma_wait3A_246] : memref<512x128xf32, #tpu.memory_space<vmem>> -> memref<64x128xf32, #tpu.memory_space<vmem>>
    %dma_wait3A_248 = arith.constant 384 : i32
    %dma_wait3A_249 = tpu.memref_slice %arg5[%dma_wait3A_248] : memref<512xi32, #tpu.memory_space<vmem>> -> memref<64xi32, #tpu.memory_space<vmem>>
    %dma_wait3A_250 = arith.constant 0 : i32
    %dma_wait3A_251 = arith.constant 0 : i32
    %dma_wait3A_252 = tpu.memref_slice %arg7[%dma_wait3A_250, %dma_wait3A_251] : memref<1001x128xf32, #tpu.memory_space<vmem_shared>> -> memref<1001x128xf32, #tpu.memory_space<vmem_shared>>
    %dma_wait3A_253 = tpu.memref_slice %arg8[%dma_wait3A_244] : memref<8x!tpu.dma_semaphore, #tpu.memory_space<semaphore_mem>> -> memref<1x!tpu.dma_semaphore, #tpu.memory_space<semaphore_mem>>
    %dma_wait3A_254 = tpu.memref_squeeze %dma_wait3A_253 : memref<1x!tpu.dma_semaphore, #tpu.memory_space<semaphore_mem>> -> memref<!tpu.dma_semaphore, #tpu.memory_space<semaphore_mem>>
    tpu.wait_indirect_dma semaphore(%dma_wait3A_254 : memref<!tpu.dma_semaphore, #tpu.memory_space<semaphore_mem>>) src(%dma_wait3A_252 : memref<1001x128xf32, #tpu.memory_space<vmem_shared>>) dst(%dma_wait3A_247 : memref<64x128xf32, #tpu.memory_space<vmem>>)
    %add3A_255 = arith.constant 384 : i32
    %add3A_256 = arith.addi %mul3A_2, %add3A_255 : i32
    %dma_start3A_257 = arith.constant 384 : i32
    %dma_start3A_258 = arith.constant 0 : i32
    %dma_start3A_259 = tpu.memref_slice %arg6[%dma_start3A_257, %dma_start3A_258] : memref<512x128xf32, #tpu.memory_space<vmem>> -> memref<64x128xf32, #tpu.memory_space<vmem>>
    %dma_start3A_260 = arith.constant 0 : i32
    %dma_start3A_261 = tpu.memref_slice %arg4[%add3A_256, %dma_start3A_260] : memref<16384x128xf32, #tpu.memory_space<hbm>> -> memref<64x128xf32, #tpu.memory_space<hbm>>
    %dma_start3A_262 = arith.constant 0 : i32
    %dma_start3A_263 = tpu.memref_slice %arg4[%add3A_256, %dma_start3A_262] : memref<16384x128xf32, #tpu.memory_space<hbm>> -> memref<64x128xf32, #tpu.memory_space<hbm>>
    %dma_start3A_264 = arith.constant 384 : i32
    %dma_start3A_265 = arith.constant 0 : i32
    %dma_start3A_266 = tpu.memref_slice %arg6[%dma_start3A_264, %dma_start3A_265] : memref<512x128xf32, #tpu.memory_space<vmem>> -> memref<64x128xf32, #tpu.memory_space<vmem>>
    tpu.enqueue_dma source(%dma_start3A_266 : memref<64x128xf32, #tpu.memory_space<vmem>>) target(%dma_start3A_263 : memref<64x128xf32, #tpu.memory_space<hbm>>) target_semaphore(%arg9 : memref<!tpu.dma_semaphore, #tpu.memory_space<semaphore_mem>>)
    %dma_wait3A_267 = arith.constant 7 : i32
    %dma_wait3A_268 = arith.constant 448 : i32
    %dma_wait3A_269 = arith.constant 0 : i32
    %dma_wait3A_270 = tpu.memref_slice %arg6[%dma_wait3A_268, %dma_wait3A_269] : memref<512x128xf32, #tpu.memory_space<vmem>> -> memref<64x128xf32, #tpu.memory_space<vmem>>
    %dma_wait3A_271 = arith.constant 448 : i32
    %dma_wait3A_272 = tpu.memref_slice %arg5[%dma_wait3A_271] : memref<512xi32, #tpu.memory_space<vmem>> -> memref<64xi32, #tpu.memory_space<vmem>>
    %dma_wait3A_273 = arith.constant 0 : i32
    %dma_wait3A_274 = arith.constant 0 : i32
    %dma_wait3A_275 = tpu.memref_slice %arg7[%dma_wait3A_273, %dma_wait3A_274] : memref<1001x128xf32, #tpu.memory_space<vmem_shared>> -> memref<1001x128xf32, #tpu.memory_space<vmem_shared>>
    %dma_wait3A_276 = tpu.memref_slice %arg8[%dma_wait3A_267] : memref<8x!tpu.dma_semaphore, #tpu.memory_space<semaphore_mem>> -> memref<1x!tpu.dma_semaphore, #tpu.memory_space<semaphore_mem>>
    %dma_wait3A_277 = tpu.memref_squeeze %dma_wait3A_276 : memref<1x!tpu.dma_semaphore, #tpu.memory_space<semaphore_mem>> -> memref<!tpu.dma_semaphore, #tpu.memory_space<semaphore_mem>>
    tpu.wait_indirect_dma semaphore(%dma_wait3A_277 : memref<!tpu.dma_semaphore, #tpu.memory_space<semaphore_mem>>) src(%dma_wait3A_275 : memref<1001x128xf32, #tpu.memory_space<vmem_shared>>) dst(%dma_wait3A_270 : memref<64x128xf32, #tpu.memory_space<vmem>>)
    %add3A_278 = arith.constant 448 : i32
    %add3A_279 = arith.addi %mul3A_2, %add3A_278 : i32
    %dma_start3A_280 = arith.constant 448 : i32
    %dma_start3A_281 = arith.constant 0 : i32
    %dma_start3A_282 = tpu.memref_slice %arg6[%dma_start3A_280, %dma_start3A_281] : memref<512x128xf32, #tpu.memory_space<vmem>> -> memref<64x128xf32, #tpu.memory_space<vmem>>
    %dma_start3A_283 = arith.constant 0 : i32
    %dma_start3A_284 = tpu.memref_slice %arg4[%add3A_279, %dma_start3A_283] : memref<16384x128xf32, #tpu.memory_space<hbm>> -> memref<64x128xf32, #tpu.memory_space<hbm>>
    %dma_start3A_285 = arith.constant 0 : i32
    %dma_start3A_286 = tpu.memref_slice %arg4[%add3A_279, %dma_start3A_285] : memref<16384x128xf32, #tpu.memory_space<hbm>> -> memref<64x128xf32, #tpu.memory_space<hbm>>
    %dma_start3A_287 = arith.constant 448 : i32
    %dma_start3A_288 = arith.constant 0 : i32
    %dma_start3A_289 = tpu.memref_slice %arg6[%dma_start3A_287, %dma_start3A_288] : memref<512x128xf32, #tpu.memory_space<vmem>> -> memref<64x128xf32, #tpu.memory_space<vmem>>
    tpu.enqueue_dma source(%dma_start3A_289 : memref<64x128xf32, #tpu.memory_space<vmem>>) target(%dma_start3A_286 : memref<64x128xf32, #tpu.memory_space<hbm>>) target_semaphore(%arg9 : memref<!tpu.dma_semaphore, #tpu.memory_space<semaphore_mem>>)
    %dma_wait3A_290 = arith.constant 0 : i32
    %dma_wait3A_291 = arith.constant 0 : i32
    %dma_wait3A_292 = tpu.memref_slice %arg6[%dma_wait3A_290, %dma_wait3A_291] : memref<512x128xf32, #tpu.memory_space<vmem>> -> memref<64x128xf32, #tpu.memory_space<vmem>>
    %dma_wait3A_293 = arith.constant 0 : i32
    %dma_wait3A_294 = tpu.memref_slice %arg4[%add3A_118, %dma_wait3A_293] : memref<16384x128xf32, #tpu.memory_space<hbm>> -> memref<64x128xf32, #tpu.memory_space<hbm>>
    %dma_wait3A_295 = arith.constant 0 : i32
    %dma_wait3A_296 = tpu.memref_slice %arg4[%add3A_118, %dma_wait3A_295] : memref<16384x128xf32, #tpu.memory_space<hbm>> -> memref<64x128xf32, #tpu.memory_space<hbm>>
    %dma_wait3A_297 = arith.constant 0 : i32
    %dma_wait3A_298 = arith.constant 0 : i32
    %dma_wait3A_299 = tpu.memref_slice %arg6[%dma_wait3A_297, %dma_wait3A_298] : memref<512x128xf32, #tpu.memory_space<vmem>> -> memref<64x128xf32, #tpu.memory_space<vmem>>
    tpu.wait_dma2 semaphore(%arg9 : memref<!tpu.dma_semaphore, #tpu.memory_space<semaphore_mem>>) src(%dma_wait3A_299 : memref<64x128xf32, #tpu.memory_space<vmem>>) dst(%dma_wait3A_296 : memref<64x128xf32, #tpu.memory_space<hbm>>)
    %dma_wait3A_300 = arith.constant 64 : i32
    %dma_wait3A_301 = arith.constant 0 : i32
    %dma_wait3A_302 = tpu.memref_slice %arg6[%dma_wait3A_300, %dma_wait3A_301] : memref<512x128xf32, #tpu.memory_space<vmem>> -> memref<64x128xf32, #tpu.memory_space<vmem>>
    %dma_wait3A_303 = arith.constant 0 : i32
    %dma_wait3A_304 = tpu.memref_slice %arg4[%add3A_141, %dma_wait3A_303] : memref<16384x128xf32, #tpu.memory_space<hbm>> -> memref<64x128xf32, #tpu.memory_space<hbm>>
    %dma_wait3A_305 = arith.constant 0 : i32
    %dma_wait3A_306 = tpu.memref_slice %arg4[%add3A_141, %dma_wait3A_305] : memref<16384x128xf32, #tpu.memory_space<hbm>> -> memref<64x128xf32, #tpu.memory_space<hbm>>
    %dma_wait3A_307 = arith.constant 64 : i32
    %dma_wait3A_308 = arith.constant 0 : i32
    %dma_wait3A_309 = tpu.memref_slice %arg6[%dma_wait3A_307, %dma_wait3A_308] : memref<512x128xf32, #tpu.memory_space<vmem>> -> memref<64x128xf32, #tpu.memory_space<vmem>>
    tpu.wait_dma2 semaphore(%arg9 : memref<!tpu.dma_semaphore, #tpu.memory_space<semaphore_mem>>) src(%dma_wait3A_309 : memref<64x128xf32, #tpu.memory_space<vmem>>) dst(%dma_wait3A_306 : memref<64x128xf32, #tpu.memory_space<hbm>>)
    %dma_wait3A_310 = arith.constant 128 : i32
    %dma_wait3A_311 = arith.constant 0 : i32
    %dma_wait3A_312 = tpu.memref_slice %arg6[%dma_wait3A_310, %dma_wait3A_311] : memref<512x128xf32, #tpu.memory_space<vmem>> -> memref<64x128xf32, #tpu.memory_space<vmem>>
    %dma_wait3A_313 = arith.constant 0 : i32
    %dma_wait3A_314 = tpu.memref_slice %arg4[%add3A_164, %dma_wait3A_313] : memref<16384x128xf32, #tpu.memory_space<hbm>> -> memref<64x128xf32, #tpu.memory_space<hbm>>
    %dma_wait3A_315 = arith.constant 0 : i32
    %dma_wait3A_316 = tpu.memref_slice %arg4[%add3A_164, %dma_wait3A_315] : memref<16384x128xf32, #tpu.memory_space<hbm>> -> memref<64x128xf32, #tpu.memory_space<hbm>>
    %dma_wait3A_317 = arith.constant 128 : i32
    %dma_wait3A_318 = arith.constant 0 : i32
    %dma_wait3A_319 = tpu.memref_slice %arg6[%dma_wait3A_317, %dma_wait3A_318] : memref<512x128xf32, #tpu.memory_space<vmem>> -> memref<64x128xf32, #tpu.memory_space<vmem>>
    tpu.wait_dma2 semaphore(%arg9 : memref<!tpu.dma_semaphore, #tpu.memory_space<semaphore_mem>>) src(%dma_wait3A_319 : memref<64x128xf32, #tpu.memory_space<vmem>>) dst(%dma_wait3A_316 : memref<64x128xf32, #tpu.memory_space<hbm>>)
    %dma_wait3A_320 = arith.constant 192 : i32
    %dma_wait3A_321 = arith.constant 0 : i32
    %dma_wait3A_322 = tpu.memref_slice %arg6[%dma_wait3A_320, %dma_wait3A_321] : memref<512x128xf32, #tpu.memory_space<vmem>> -> memref<64x128xf32, #tpu.memory_space<vmem>>
    %dma_wait3A_323 = arith.constant 0 : i32
    %dma_wait3A_324 = tpu.memref_slice %arg4[%add3A_187, %dma_wait3A_323] : memref<16384x128xf32, #tpu.memory_space<hbm>> -> memref<64x128xf32, #tpu.memory_space<hbm>>
    %dma_wait3A_325 = arith.constant 0 : i32
    %dma_wait3A_326 = tpu.memref_slice %arg4[%add3A_187, %dma_wait3A_325] : memref<16384x128xf32, #tpu.memory_space<hbm>> -> memref<64x128xf32, #tpu.memory_space<hbm>>
    %dma_wait3A_327 = arith.constant 192 : i32
    %dma_wait3A_328 = arith.constant 0 : i32
    %dma_wait3A_329 = tpu.memref_slice %arg6[%dma_wait3A_327, %dma_wait3A_328] : memref<512x128xf32, #tpu.memory_space<vmem>> -> memref<64x128xf32, #tpu.memory_space<vmem>>
    tpu.wait_dma2 semaphore(%arg9 : memref<!tpu.dma_semaphore, #tpu.memory_space<semaphore_mem>>) src(%dma_wait3A_329 : memref<64x128xf32, #tpu.memory_space<vmem>>) dst(%dma_wait3A_326 : memref<64x128xf32, #tpu.memory_space<hbm>>)
    %dma_wait3A_330 = arith.constant 256 : i32
    %dma_wait3A_331 = arith.constant 0 : i32
    %dma_wait3A_332 = tpu.memref_slice %arg6[%dma_wait3A_330, %dma_wait3A_331] : memref<512x128xf32, #tpu.memory_space<vmem>> -> memref<64x128xf32, #tpu.memory_space<vmem>>
    %dma_wait3A_333 = arith.constant 0 : i32
    %dma_wait3A_334 = tpu.memref_slice %arg4[%add3A_210, %dma_wait3A_333] : memref<16384x128xf32, #tpu.memory_space<hbm>> -> memref<64x128xf32, #tpu.memory_space<hbm>>
    %dma_wait3A_335 = arith.constant 0 : i32
    %dma_wait3A_336 = tpu.memref_slice %arg4[%add3A_210, %dma_wait3A_335] : memref<16384x128xf32, #tpu.memory_space<hbm>> -> memref<64x128xf32, #tpu.memory_space<hbm>>
    %dma_wait3A_337 = arith.constant 256 : i32
    %dma_wait3A_338 = arith.constant 0 : i32
    %dma_wait3A_339 = tpu.memref_slice %arg6[%dma_wait3A_337, %dma_wait3A_338] : memref<512x128xf32, #tpu.memory_space<vmem>> -> memref<64x128xf32, #tpu.memory_space<vmem>>
    tpu.wait_dma2 semaphore(%arg9 : memref<!tpu.dma_semaphore, #tpu.memory_space<semaphore_mem>>) src(%dma_wait3A_339 : memref<64x128xf32, #tpu.memory_space<vmem>>) dst(%dma_wait3A_336 : memref<64x128xf32, #tpu.memory_space<hbm>>)
    %dma_wait3A_340 = arith.constant 320 : i32
    %dma_wait3A_341 = arith.constant 0 : i32
    %dma_wait3A_342 = tpu.memref_slice %arg6[%dma_wait3A_340, %dma_wait3A_341] : memref<512x128xf32, #tpu.memory_space<vmem>> -> memref<64x128xf32, #tpu.memory_space<vmem>>
    %dma_wait3A_343 = arith.constant 0 : i32
    %dma_wait3A_344 = tpu.memref_slice %arg4[%add3A_233, %dma_wait3A_343] : memref<16384x128xf32, #tpu.memory_space<hbm>> -> memref<64x128xf32, #tpu.memory_space<hbm>>
    %dma_wait3A_345 = arith.constant 0 : i32
    %dma_wait3A_346 = tpu.memref_slice %arg4[%add3A_233, %dma_wait3A_345] : memref<16384x128xf32, #tpu.memory_space<hbm>> -> memref<64x128xf32, #tpu.memory_space<hbm>>
    %dma_wait3A_347 = arith.constant 320 : i32
    %dma_wait3A_348 = arith.constant 0 : i32
    %dma_wait3A_349 = tpu.memref_slice %arg6[%dma_wait3A_347, %dma_wait3A_348] : memref<512x128xf32, #tpu.memory_space<vmem>> -> memref<64x128xf32, #tpu.memory_space<vmem>>
    tpu.wait_dma2 semaphore(%arg9 : memref<!tpu.dma_semaphore, #tpu.memory_space<semaphore_mem>>) src(%dma_wait3A_349 : memref<64x128xf32, #tpu.memory_space<vmem>>) dst(%dma_wait3A_346 : memref<64x128xf32, #tpu.memory_space<hbm>>)
    %dma_wait3A_350 = arith.constant 384 : i32
    %dma_wait3A_351 = arith.constant 0 : i32
    %dma_wait3A_352 = tpu.memref_slice %arg6[%dma_wait3A_350, %dma_wait3A_351] : memref<512x128xf32, #tpu.memory_space<vmem>> -> memref<64x128xf32, #tpu.memory_space<vmem>>
    %dma_wait3A_353 = arith.constant 0 : i32
    %dma_wait3A_354 = tpu.memref_slice %arg4[%add3A_256, %dma_wait3A_353] : memref<16384x128xf32, #tpu.memory_space<hbm>> -> memref<64x128xf32, #tpu.memory_space<hbm>>
    %dma_wait3A_355 = arith.constant 0 : i32
    %dma_wait3A_356 = tpu.memref_slice %arg4[%add3A_256, %dma_wait3A_355] : memref<16384x128xf32, #tpu.memory_space<hbm>> -> memref<64x128xf32, #tpu.memory_space<hbm>>
    %dma_wait3A_357 = arith.constant 384 : i32
    %dma_wait3A_358 = arith.constant 0 : i32
    %dma_wait3A_359 = tpu.memref_slice %arg6[%dma_wait3A_357, %dma_wait3A_358] : memref<512x128xf32, #tpu.memory_space<vmem>> -> memref<64x128xf32, #tpu.memory_space<vmem>>
    tpu.wait_dma2 semaphore(%arg9 : memref<!tpu.dma_semaphore, #tpu.memory_space<semaphore_mem>>) src(%dma_wait3A_359 : memref<64x128xf32, #tpu.memory_space<vmem>>) dst(%dma_wait3A_356 : memref<64x128xf32, #tpu.memory_space<hbm>>)
    %dma_wait3A_360 = arith.constant 448 : i32
    %dma_wait3A_361 = arith.constant 0 : i32
    %dma_wait3A_362 = tpu.memref_slice %arg6[%dma_wait3A_360, %dma_wait3A_361] : memref<512x128xf32, #tpu.memory_space<vmem>> -> memref<64x128xf32, #tpu.memory_space<vmem>>
    %dma_wait3A_363 = arith.constant 0 : i32
    %dma_wait3A_364 = tpu.memref_slice %arg4[%add3A_279, %dma_wait3A_363] : memref<16384x128xf32, #tpu.memory_space<hbm>> -> memref<64x128xf32, #tpu.memory_space<hbm>>
    %dma_wait3A_365 = arith.constant 0 : i32
    %dma_wait3A_366 = tpu.memref_slice %arg4[%add3A_279, %dma_wait3A_365] : memref<16384x128xf32, #tpu.memory_space<hbm>> -> memref<64x128xf32, #tpu.memory_space<hbm>>
    %dma_wait3A_367 = arith.constant 448 : i32
    %dma_wait3A_368 = arith.constant 0 : i32
    %dma_wait3A_369 = tpu.memref_slice %arg6[%dma_wait3A_367, %dma_wait3A_368] : memref<512x128xf32, #tpu.memory_space<vmem>> -> memref<64x128xf32, #tpu.memory_space<vmem>>
    tpu.wait_dma2 semaphore(%arg9 : memref<!tpu.dma_semaphore, #tpu.memory_space<semaphore_mem>>) src(%dma_wait3A_369 : memref<64x128xf32, #tpu.memory_space<vmem>>) dst(%dma_wait3A_366 : memref<64x128xf32, #tpu.memory_space<hbm>>)
    return
  }
}

</mosaic_0001>

<sc_bundles>
// kernel: kernel.3.cloned.1.call-start
scs
__scs_entry_jumppad:
0x0: {  	(pc) =	sbr.rel $0x88, $3  }
0x1: {  	(tag) =	ssettag $0x0;
	lr =	simm.s32 $0x1  }
0x2: {  	[smem:$0x3F9F] =	sst lr;
	_ =	strace $0xD0000000  }
0x3: {  	_ = 	snop  }
0x4: {  	_ = 	snop  }
0x5: {  	_ = 	snop  }
0x6: {  	_ = 	snop  }
0x7: {  	_ = 	snop  }
__scs_overlays_trampoline_lowered:
0x8: {  	[smem:$0x3FAE] =	sst s0  }
0x9: {  	[smem:$0x3FAF] =	sst s1  }
0xa: {  	[smem:$0x3FB0] =	sst s2  }
0xb: {  	[smem:$0x3FB1] =	sst s3  }
0xc: {  	[smem:$0x3FB2] =	sst s4  }
0xd: {  	[smem:$0x3FB3] =	sst s5  }
0xe: {  	[smem:$0x3FB4] =	sst s6  }
0xf: {  	[smem:$0x3FB5] =	sst s7  }
0x10: {  	[smem:$0x3FB6] =	sst s8  }
0x11: {  	[smem:$0x3FB7] =	sst s9;
	s0 =	simm.s32 @!p0 $0x0  }
0x12: {  	s1 =	sld [smem:$0x3F9D];
	s0 =	simm.s32 @p0 $0x1  }
0x13: {  	[smem:$0x3FB8] =	sst s0;
	s0 =	simm.s32 @!p1 $0x0  }
0x14: {  	s2 =	sld [smem:$0x3F9C];
	s0 =	simm.s32 @p1 $0x1  }
0x15: {  	[smem:$0x3FB9] =	sst s0;
	s0 =	simm.s32 @!p2 $0x0  }
0x16: {  	s3 =	sld [smem:$0x3FDB];
	s0 =	simm.s32 @p2 $0x1  }
0x17: {  	s4 =	simm.s32 $0x1BF5;
	[smem:$0x3FBB] =	sst s0  }
0x18: {  	s0 =	sld [smem:$0x3F9E];
	_ =	swait.ge [sflag:s4], $0x0  }
0x19: {  	s7 =	sld [smem:$0x3F9F]  }
0x1a: {  	s8 =	sadd.s32 $0xFFFFE003, lr  }
0x1b: {  	s9 =	sadd.s32 $0xFFFFFEF7, lr;
	s5 =	simm.s32 $0xFFFFFFFF;
	p2 =	slt.u32 s8, $0xFFFFF086  }
0x1c: {  	p1 =	slt.u32 s9, $0xF7A;
	s5 =	simm.s32 @!p2 $0x0  }
0x1d: {  	s5 =	simm.s32 @p1 $0x1;
	p0 =	seq.s32 s7, s2  }
0x1e: {  	s7 =	smul.u32 @!p0 $0xF7A, s2;
	p2 =	seq.s32 @!p0 s5, $0x0  }
0x1f: {  	s9 =	smul.u32 $0xF7A, s1;
	s8 =	simm.s32 @!p0 $0x1BF5;
	p2 =	por !p2, p0  }
0x20: {  	[sflag:s8] =	ssyncset.s32 @!p0 $0xFFFFF086;
	s6 =	sadd.s32 @!p0 s3, s7;
	s7 =	simm.s32 @!p0 $0x108  }
0x21: {  	s3 =	sadd.s32 s3, s9;
	s6 =	sadd.s32 @!p0 $0x88, s6;
	s7 =	simm.s32 @p2 $0x1082  }
0x22: {  	[simem:s7], [sflag:s8] =	dma.local @!p0 [hbm:s6], $0xF7A  }
0x23: {  	s9 =	sor.u32 $0xD0000000, s2;
	s6 =	simm.s32 $0x108;
	_ =	swait.ge @!p0 [sflag:s8], $0x0  }
0x24: {  	s3 =	sadd.s32 $0x88, s3;
	s6 =	simm.s32 @!p1 $0x1082;
	[sflag:s4] =	ssyncset.s32 $0xFFFFF086  }
0x25: {  	[simem:s6], [sflag:s4] =	dma.local [hbm:s3], $0xF7A  }
0x26: {  	[smem:$0x3F9F] =	sst s1;
	(tag) =	ssettag s2;
	_ =	strace s9  }
0x27: {  	s1 =	sld [smem:$0x3FAF]  }
0x28: {  	s2 =	sld [smem:$0x3FB0]  }
0x29: {  	s4 =	sld [smem:$0x3FB2]  }
0x2a: {  	p0 =	seq.s32 s5, $0x0;
	s5 =	sld [smem:$0x3FB3]  }
0x2b: {  	s6 =	sld [smem:$0x3FB4]  }
0x2c: {  	s7 =	sld [smem:$0x3FB5]  }
0x2d: {  	s3 =	simm.s32 $0x108;
	s8 =	sld [smem:$0x3FB6]  }
0x2e: {  	s3 =	simm.s32 @!p0 $0x1082;
	s9 =	sld [smem:$0x3FB7]  }
0x2f: {  	lr =	sadd.s32 s0, s3;
	s0 =	sld [smem:$0x3FAE]  }
0x30: {  	s3 =	sld [smem:$0x3FB1]  }
0x31: {  	[smem:$0x3FBA] =	sst s10  }
0x32: {  	s10 =	sld [smem:$0x3FB8];
	_ =	sdelay $0x3  }
0x33: {  	p0 =	seq.s32 s10, $0x1;
	s10 =	sld [smem:$0x3FBA];
	_ =	sdelay $0x3  }
0x34: {  	[smem:$0x3FBA] =	sst s10  }
0x35: {  	s10 =	sld [smem:$0x3FB9];
	_ =	sdelay $0x3  }
0x36: {  	p1 =	seq.s32 s10, $0x1;
	s10 =	sld [smem:$0x3FBA];
	_ =	sdelay $0x3  }
0x37: {  	[smem:$0x3FBA] =	sst s10  }
0x38: {  	s10 =	sld [smem:$0x3FBB]  }
0x39: {  	_ = 	snop;
	(pc) =	sbr.ind lr, $3  }
0x3a: {  	_ = 	snop  }
0x3b: {  	_ = 	snop  }
0x3c: {  	p2 =	seq.s32 s10, $0x1;
	s10 =	sld [smem:$0x3FBA]  }
0x3d: {  	_ =	shalt  }
0x3e: {  	_ =	shalt  }
0x3f: {  	_ =	shalt  }
0x40: {  	_ =	shalt  }
0x41: {  	_ =	shalt  }
0x42: {  	_ =	shalt  }
0x43: {  	_ =	shalt  }
0x44: {  	_ =	shalt  }
0x45: {  	_ =	shalt  }
0x46: {  	_ =	shalt  }
0x47: {  	_ =	shalt  }
0x48: {  	_ =	shalt  }
0x49: {  	_ =	shalt  }
0x4a: {  	_ =	shalt  }
0x4b: {  	_ =	shalt  }
0x4c: {  	_ =	shalt  }
0x4d: {  	_ =	shalt  }
0x4e: {  	_ =	shalt  }
0x4f: {  	_ =	shalt  }
0x50: {  	_ =	shalt  }
0x51: {  	_ =	shalt  }
0x52: {  	_ =	shalt  }
0x53: {  	_ =	shalt  }
0x54: {  	_ =	shalt  }
0x55: {  	_ =	shalt  }
0x56: {  	_ =	shalt  }
0x57: {  	_ =	shalt  }
0x58: {  	_ =	shalt  }
0x59: {  	_ =	shalt  }
0x5a: {  	_ =	shalt  }
0x5b: {  	_ =	shalt  }
0x5c: {  	_ =	shalt  }
0x5d: {  	_ =	shalt  }
0x5e: {  	_ =	shalt  }
0x5f: {  	_ =	shalt  }
0x60: {  	_ =	shalt  }
0x61: {  	_ =	shalt  }
0x62: {  	_ =	shalt  }
0x63: {  	_ =	shalt  }
0x64: {  	_ =	shalt  }
0x65: {  	_ =	shalt  }
0x66: {  	_ =	shalt  }
0x67: {  	_ =	shalt  }
0x68: {  	_ =	shalt  }
0x69: {  	_ =	shalt  }
0x6a: {  	_ =	shalt  }
0x6b: {  	_ =	shalt  }
0x6c: {  	_ =	shalt  }
0x6d: {  	_ =	shalt  }
0x6e: {  	_ =	shalt  }
0x6f: {  	_ =	shalt  }
0x70: {  	_ =	shalt  }
0x71: {  	_ =	shalt  }
0x72: {  	_ =	shalt  }
0x73: {  	_ =	shalt  }
0x74: {  	_ =	shalt  }
0x75: {  	_ =	shalt  }
0x76: {  	_ =	shalt  }
0x77: {  	_ =	shalt  }
0x78: {  	_ =	shalt  }
0x79: {  	_ =	shalt  }
0x7a: {  	_ =	shalt  }
0x7b: {  	_ =	shalt  }
0x7c: {  	_ =	shalt  }
0x7d: {  	_ =	shalt  }
0x7e: {  	_ =	shalt  }
0x7f: {  	_ =	shalt  }
0x80: {  	_ =	shalt  }
0x81: {  	_ =	shalt  }
0x82: {  	_ =	shalt  }
0x83: {  	_ =	shalt  }
0x84: {  	_ =	shalt  }
0x85: {  	_ =	shalt  }
0x86: {  	_ =	shalt  }
0x87: {  	_ =	shalt  }
.Lfunc_end0:
.L_simem_size_0:
called_computation_lowered:
.L_overlay_start_0:
0x88: {  	s2 =	sld [smem:$0x3FD9]  }
0x89: {  	s3 =	sld [smem:$0x3FFE];
	_ =	sdelay $0x1  }
0x8a: {  	s1 =	srdreg.scid  }
0x8b: {  	s0 =	sand.u32 $0x1, s1  }
0x8c: {  	s18 =	sshll.u32 s0, $0xA;
	s2 =	sadd.s32 s3, s2  }
0x8d: {  	s2 =	sadd.s32 s2, s18  }
0x8e: {  	[smem:$0x3FC6] =	sst s2  }
0x8f: {  	_ = 	snop  }
0x90: {  	s2 =	sld [smem:$0x3FC9]  }
0x91: {  	s19 =	sld [smem:$0x3FC8]  }
0x92: {  	s4 =	sld [smem:$0x3FD0];
	(tm) =	ssettm $0x1  }
0x93: {  	s5 =	sld [smem:$0x3FFB];
	_ =	sdelay $0x3  }
0x94: {  	_ =	strace s5  }
0x95: {  	s5 =	sld [smem:$0x3FFC];
	_ =	sdelay $0x3  }
0x96: {  	_ =	strace s5  }
0x97: {  	s5 =	sld [smem:$0x3FFD];
	_ =	sdelay $0x3  }
0x98: {  	_ =	strace s5  }
0x99: {  	_ =	strace $0x8FFFFFFF  }
0x9a: {  	s20 =	sld [smem:$0x3FDB];
	_ =	sdelay $0x1  }
0x9b: {  	s6 =	simm.s32 $_scs_section_size  }
0x9c: {  	s7 =	simm.s32 $_size__tile_overlayer_lowered;
	s8 =	simm.s32 $_tile_overlayer_lowered  }
0x9d: {  	s23 =	simm.s32 $0x1BFF;
	s22 =	sshll.u32 s8, $0x1;
	s5 =	sadd.s32 s6, s20  }
0x9e: {  	s9 =	simm.s32 $0x0;
	s21 =	sshll.u32 s7, $0x1;
	s7 =	sadd.s32 s22, s5  }
0x9f: {  	[timem:s9], [sflag:s23] =	dma.local [hbm:s7], s21  }
0xa0: {  	_ =	swait.ge [sflag:s23], s21  }
0xa1: {  	s6 =	ssub.s32 $0x0, s21;
	[sflag:s23] =	ssyncset.done $0x0  }
0xa2: {  	[sflag:s23] =	ssyncadd.s32 s6;
	_ =	sdelay $0x1  }
0xa3: {  	s24 =	simm.s32 $0x1B8B  }
0xa4: {  	_ =	swait.ge [sflag:s24], $0x1  }
0xa5: {  	[sflag:s24] =	ssyncset.done $0x0  }
0xa6: {  	s25 =	simm.s32 $0x1B8E;
	[sflag:s24] =	ssyncadd.s32 $0xFFFFFFFF  }
0xa7: {  	s26 =	simm.s32 $execute0_lowered;
	[smem:$0x3FD2] =	sst s25  }
0xa8: {  	s6 =	sshll.u32 s26, $0x1;
	_ =	strace $0x80000046;
	[dreg:$0x1] =	wrdreg $0xFFFFFFFF  }
0xa9: {  	s28 =	simm.s32 $_size_execute0_lowered;
	s5 =	sadd.s32 s5, s6;
	[dreg:$0x0] =	wrdreg $0x0  }
0xaa: {  	s6 =	sshll.u32 s28, $0x1;
	[dreg:$0x2] =	wrdreg s5  }
0xab: {  	[dreg:$0x3] =	wrdreg s6  }
0xac: {  	[dreg:$0x4] =	wrdreg $0xC0  }
0xad: {  	_ =	task [dreg:s9], $0x5FFFF  }
0xae: {  	[dreg:$0x1] =	wrdreg $0xFFFFFFFF  }
0xaf: {  	[dreg:$0x0] =	wrdreg $0x60  }
0xb0: {  	[dreg:$0x2] =	wrdreg s19  }
0xb1: {  	[dreg:$0x3] =	wrdreg s2  }
0xb2: {  	[dreg:$0x4] =	wrdreg s4  }
0xb3: {  	[dreg:$0x5] =	wrdreg $0x102000  }
0xb4: {  	[dreg:$0x6] =	wrdreg $0x9  }
0xb5: {  	_ =	task.clear_ibuf [dreg:s9], $0x7FFFF;
	_ =	strace $0x90000046  }
0xb6: {  	s29 =	simm.s32 $0x9;
	_ =	strace $0x80000048  }
0xb7: {  	_ =	swait.ge [sflag:s29], $0x1  }
0xb8: {  	[sflag:s29] =	ssyncadd.s32 $0xFFFFFFFF  }
0xb9: {  	_ =	strace $0x90000048  }
0xba: {  	_ =	sfence  }
0xbb: {  	s30 =	sld [smem:$0x0];
	_ =	sdelay $0x2  }
0xbc: {  	s31 =	sshll.u32 s1, $0xD;
	s1 =	sshrl.u32 s1, $0x2  }
0xbd: {  	s3 =	sand.u32 $0x4000, s31;
	s1 =	sadd.s32 s1, s30  }
0xbe: {  	s0 =	sor.u32 s3, s0;
	s1 =	sshll.u32 s1, $0x11  }
0xbf: {  	s0 =	sor.u32 s1, s0  }
0xc0: {  	s0 =	sadd.s32 $0x8F2B, s0  }
0xc1: {  	[sflag:s0] =	ssyncadd.remote.s32 $0x1  }
0xc2: {  	_ =	sfence.sel $0xFFFF  }
0xc3: {  	[dreg:$0x0] =	wrdreg $0xFFFFFFFF;
	(pc) =	sbr.abs _section_cstart, $3  }
0xc4: {  	[dreg:$0x1] =	wrdreg $0xFFFFFFFF  }
0xc5: {  	_ =	task.clear_ibuf [dreg:s9], $0x2FFFF;
	_ =	strace $0x9FFFFFFF  }
0xc6: {  	(tm) =	ssettm $0x7FFFFFFF  }
0xc7: {  	_ =	shalt  }
tec
execute0_lowered:
.L_overlay_start_1:
0x0: {  	(tag) =	ssettag $0x1  }
0x1: {  	s1 =	rddreg [dreg:$0x0]  }
0x2: {  	s4 =	rddreg [dreg:$0x1]  }
0x3: {  	s5 =	rddreg [dreg:$0x2];
	s0 =	srdreg.scid  }
0x4: {  	s2 =	rddreg [dreg:$0x3];
	s6 =	stileid.u32  }
0x5: {  	s3 =	simm.s32 $0x0;
	s21 =	simm.s32 $0x80;
	s22 =	simm.s32 $0xC0  }
0x6: {  	s31 =	sand.u32 $0x1, s0;
	[smem:$0x7FF] =	sst s3;
	s12 =	sadd.s32 $0x3E80, s1  }
0x7: {  	s7 =	sshll.u32 s6, $0xA;
	_ =	strace $0x80000047;
	[dreg:$0x8] =	wrdreg s12  }
0x8: {  	s26 =	sshll.u32 s6, $0x6;
	s8 =	sshll.u32 s31, $0x9;
	[dreg:$0x12] =	wrdreg s21  }
0x9: {  	s10 =	smin.u32 s26, $0x3A8;
	s11 =	sor.u32 $0x1C0B, s26;
	[dreg:$0x13] =	wrdreg s22  }
0xa: {  	s26 =	simm.s32 $0x100;
	s7 =	sor.u32 s8, s7;
	[dreg:$0x7] =	wrdreg s11  }
0xb: {  	[dreg:$0x14] =	wrdreg s26;
	s9 =	sshrl.u32 s7, $0x3  }
0xc: {  	s0 =	sshll.u32 s10, $0x4;
	s25 =	rddreg [dreg:$0x7];
	s4 =	sadd.s32 s4, s9  }
0xd: {  	s9 =	sadd.s32 s1, s0;
	[dreg:$0x5] =	wrdreg s4  }
0xe: {  	s7 =	sshll.u32 s7, $0x4;
	[dreg:$0x6] =	wrdreg s9  }
0xf: {  	s4 =	sadd.s32 s5, s7;
	s23 =	rddreg [dreg:$0x6]  }
0x10: {  	s5 =	sadd.s32 $0x400, s4;
	s24 =	rddreg [dreg:$0x5]  }
0x11: {  	s13 =	sadd.s32 $0x800, s4;
	[dreg:$0x9] =	wrdreg s5  }
0x12: {  	s14 =	sadd.s32 $0xC00, s4;
	[dreg:$0xa] =	wrdreg s13  }
0x13: {  	s15 =	sadd.s32 $0x1000, s4;
	[dreg:$0xb] =	wrdreg s14  }
0x14: {  	p0 =	sne.s32 s6, $0x0;
	s17 =	sadd.s32 $0x1400, s4;
	[dreg:$0xc] =	wrdreg s15  }
0x15: {  	s16 =	sshll.u32 s10, $0x7;
	s18 =	sadd.s32 $0x1800, s4;
	[dreg:$0xd] =	wrdreg s17  }
0x16: {  	s7 =	sadd.s32 s16, s2;
	s19 =	sadd.s32 $0x1C00, s4;
	[dreg:$0xe] =	wrdreg s18  }
0x17: {  	s8 =	sadd.s32 $0x1F400, s2;
	s20 =	sshrl.u32 s7, $0x3;
	[dreg:$0xf] =	wrdreg s19  }
0x18: {  	[dreg:$0x10] =	wrdreg s20;
	s5 =	sshrl.u32 @!p0 s8, $0x3  }
0x19: {  	[tilespmem:s3], [sflag:$0xA] =	stream.linear.gather [hbm4b:s24+s3], $0x200, $0x38;
	[tilespmem:$0x12148] =	vst v63  }
0x1a: {  	[dreg:$0x11] =	wrdreg s5  }
0x1b: {  	s0 =	rddreg [dreg:$0x10];
	s5 =	simm.s32 $0xA  }
0x1c: {  	[spmem:s0], [sflag:s25] =	dma.local [hbm:s23], $0x400  }
0x1d: {  	s6 =	simm.s32 $0x40;
	s9 =	simm.s32 @!p0 $0xC;
	_ =	swait.ge [sflag:s5], $0x200  }
0x1e: {  	s7 =	simm.s32 $0x200;
	[sflag:s5] =	ssyncset.done $0x0;
	s10 =	rddreg [dreg:$0x8]  }
0x1f: {  	s0 =	simm.s32 @!p0 $0x1C0C;
	s11 =	rddreg [dreg:$0x11];
	[sflag:s5] =	ssyncadd.s32 $0xFFFFFE00  }
0x20: {  	[tilespmem:s7], [sflag:$0x1] =	stream.indirect.gather [hbm4b:s1+s6], $0x80, s3, s6, $0xb8;
	[tilespmem:$0x12148] =	vst v63  }
0x21: {  	[spmem:s11], [sflag:s0] =	dma.local @!p0 [hbm:s10], $0x10  }
0x22: {  	_ =	swait.ge @!p0 [sflag:s9], $0x10  }
0x23: {  	[sflag:s9] =	ssyncset.done @!p0 $0x0  }
0x24: {  	s10 =	simm.s32 $0xB;
	[sflag:s9] =	ssyncadd.s32 @!p0 $0xFFFFFFF0  }
0x25: {  	_ =	swait.ge [sflag:s10], $0x400  }
0x26: {  	[sflag:s10] =	ssyncset.done $0x0  }
0x27: {  	[sflag:s10] =	ssyncadd.s32 $0xFFFFFC00  }
0x28: {  	s11 =	simm.s32 $0x2200;
	[bflag:$0x0] =	sbarrier.arrive $0xFFFF  }
0x29: {  	[tilespmem:s11], [sflag:$0x2] =	stream.indirect.gather [spmem:s2], $0x80, s6, s6, $0xb8;
	[tilespmem:$0x12148] =	vst v63  }
0x2a: {  	s12 =	simm.s32 $0x4200;
	s13 =	rddreg [dreg:$0x12]  }
0x2b: {  	[tilespmem:s12], [sflag:$0x3] =	stream.indirect.gather [spmem:s2], $0x80, s13, s6, $0xb8;
	[tilespmem:$0x12148] =	vst v63  }
0x2c: {  	s14 =	rddreg [dreg:$0x13];
	s13 =	simm.s32 $0x6200  }
0x2d: {  	[tilespmem:s13], [sflag:$0x4] =	stream.indirect.gather [spmem:s2], $0x80, s14, s6, $0xb8;
	[tilespmem:$0x12148] =	vst v63  }
0x2e: {  	s15 =	rddreg [dreg:$0x14];
	s14 =	simm.s32 $0x8200  }
0x2f: {  	[tilespmem:s14], [sflag:$0x5] =	stream.indirect.gather [spmem:s2], $0x80, s15, s6, $0xb8;
	[tilespmem:$0x12148] =	vst v63  }
0x30: {  	s16 =	simm.s32 $0xA200;
	s1 =	simm.s32 $0x140  }
0x31: {  	[tilespmem:s16], [sflag:$0x6] =	stream.indirect.gather [spmem:s2], $0x80, s1, s6, $0xb8;
	[tilespmem:$0x12148] =	vst v63  }
0x32: {  	s17 =	simm.s32 $0x180;
	s18 =	simm.s32 $0xC200  }
0x33: {  	[tilespmem:s18], [sflag:$0x7] =	stream.indirect.gather [spmem:s2], $0x80, s17, s6, $0xb8;
	[tilespmem:$0x12148] =	vst v63  }
0x34: {  	s21 =	simm.s32 $0x1;
	s19 =	simm.s32 $0x1C0;
	s20 =	simm.s32 $0xE200  }
0x35: {  	[tilespmem:s20], [sflag:$0x8] =	stream.indirect.gather [spmem:s2], $0x80, s19, s6, $0xb8;
	[tilespmem:$0x12148] =	vst v63  }
0x36: {  	_ =	swait.ge [sflag:s21], $0x2000  }
0x37: {  	[sflag:s21] =	ssyncset.done $0x0  }
0x38: {  	s22 =	simm.s32 $0x2;
	[sflag:s21] =	ssyncadd.s32 $0xFFFFE000  }
0x39: {  	[hbm4b:s4+s3] =	stream.linear.scatter [tilespmem:s7], [sflag:$0x9], $0x2000, $0x38;
	[tilespmem:$0x12148] =	vst v63  }
0x3a: {  	_ =	swait.ge [sflag:s22], $0x2000  }
0x3b: {  	[sflag:s22] =	ssyncset.done $0x0  }
0x3c: {  	s23 =	simm.s32 $0x3;
	s24 =	rddreg [dreg:$0x9];
	[sflag:s22] =	ssyncadd.s32 $0xFFFFE000  }
0x3d: {  	[hbm4b:s24+s3] =	stream.linear.scatter [tilespmem:s11], [sflag:$0x9], $0x2000, $0x38;
	[tilespmem:$0x12148] =	vst v63  }
0x3e: {  	_ =	swait.ge [sflag:s23], $0x2000  }
0x3f: {  	[sflag:s23] =	ssyncset.done $0x0  }
0x40: {  	s24 =	simm.s32 $0x4;
	s8 =	rddreg [dreg:$0xa];
	[sflag:s23] =	ssyncadd.s32 $0xFFFFE000  }
0x41: {  	[hbm4b:s8+s3] =	stream.linear.scatter [tilespmem:s12], [sflag:$0x9], $0x2000, $0x38;
	[tilespmem:$0x12148] =	vst v63  }
0x42: {  	_ =	swait.ge [sflag:s24], $0x2000  }
0x43: {  	[sflag:s24] =	ssyncset.done $0x0  }
0x44: {  	s25 =	rddreg [dreg:$0xb];
	[sflag:s24] =	ssyncadd.s32 $0xFFFFE000  }
0x45: {  	[hbm4b:s25+s3] =	stream.linear.scatter [tilespmem:s13], [sflag:$0x9], $0x2000, $0x38;
	[tilespmem:$0x12148] =	vst v63  }
0x46: {  	s25 =	simm.s32 $0x5  }
0x47: {  	_ =	swait.ge [sflag:s25], $0x2000  }
0x48: {  	[sflag:s25] =	ssyncset.done $0x0  }
0x49: {  	s26 =	rddreg [dreg:$0xc];
	[sflag:s25] =	ssyncadd.s32 $0xFFFFE000  }
0x4a: {  	[hbm4b:s26+s3] =	stream.linear.scatter [tilespmem:s14], [sflag:$0x9], $0x2000, $0x38;
	[tilespmem:$0x12148] =	vst v63  }
0x4b: {  	s26 =	simm.s32 $0x6  }
0x4c: {  	_ =	swait.ge [sflag:s26], $0x2000  }
0x4d: {  	[sflag:s26] =	ssyncset.done $0x0  }
0x4e: {  	s28 =	rddreg [dreg:$0xd];
	[sflag:s26] =	ssyncadd.s32 $0xFFFFE000  }
0x4f: {  	[hbm4b:s28+s3] =	stream.linear.scatter [tilespmem:s16], [sflag:$0x9], $0x2000, $0x38;
	[tilespmem:$0x12148] =	vst v63  }
0x50: {  	s28 =	simm.s32 $0x7  }
0x51: {  	_ =	swait.ge [sflag:s28], $0x2000  }
0x52: {  	[sflag:s28] =	ssyncset.done $0x0  }
0x53: {  	s29 =	rddreg [dreg:$0xe];
	[sflag:s28] =	ssyncadd.s32 $0xFFFFE000  }
0x54: {  	[hbm4b:s29+s3] =	stream.linear.scatter [tilespmem:s18], [sflag:$0x9], $0x2000, $0x38;
	[tilespmem:$0x12148] =	vst v63  }
0x55: {  	s29 =	simm.s32 $0x8  }
0x56: {  	_ =	swait.ge [sflag:s29], $0x2000  }
0x57: {  	[sflag:s29] =	ssyncset.done $0x0  }
0x58: {  	s30 =	rddreg [dreg:$0xf];
	[sflag:s29] =	ssyncadd.s32 $0xFFFFE000  }
0x59: {  	[hbm4b:s30+s3] =	stream.linear.scatter [tilespmem:s20], [sflag:$0x9], $0x2000, $0x38;
	[tilespmem:$0x12148] =	vst v63  }
0x5a: {  	s30 =	simm.s32 $0x9  }
0x5b: {  	_ =	swait.ge [sflag:s30], $0x2000  }
0x5c: {  	[sflag:s30] =	ssyncset.done $0x0  }
0x5d: {  	[sflag:s30] =	ssyncadd.s32 $0xFFFFE000  }
0x5e: {  	_ =	swait.ge [sflag:s30], $0x2000  }
0x5f: {  	[sflag:s30] =	ssyncset.done $0x0  }
0x60: {  	[sflag:s30] =	ssyncadd.s32 $0xFFFFE000  }
0x61: {  	_ =	swait.ge [sflag:s30], $0x2000  }
0x62: {  	[sflag:s30] =	ssyncset.done $0x0  }
0x63: {  	[sflag:s30] =	ssyncadd.s32 $0xFFFFE000  }
0x64: {  	_ =	swait.ge [sflag:s30], $0x2000  }
0x65: {  	s31 =	ssub.s32 $0x2, s31;
	[sflag:s30] =	ssyncset.done $0x0  }
0x66: {  	s15 =	sshrl.u32 s31, $0x1;
	[sflag:s30] =	ssyncadd.s32 $0xFFFFE000  }
0x67: {  	s0 =	ssub.s32 s31, s15;
	_ =	swait.ge [sflag:s30], $0x2000  }
0x68: {  	s0 =	smax.u32 s0, $0x1;
	[sflag:s30] =	ssyncset.done $0x0  }
0x69: {  	s31 =	sadd.s32 $0xFFFFFFFF, s0;
	[sflag:s30] =	ssyncadd.s32 $0xFFFFE000  }
0x6a: {  	p1 =	sne.s32 s31, $0x0;
	_ =	swait.ge [sflag:s30], $0x2000  }
.Ltmp0:
0x6b: {  	[sflag:s30] =	ssyncset.done $0x0;
	(pc) =	sbr.rel @!p1 .LBB2_2-.Ltmp0, $4  }
0x6c: {  	[sflag:s30] =	ssyncadd.s32 $0xFFFFE000  }
0x6d: {  	_ =	swait.ge [sflag:s30], $0x2000  }
0x6e: {  	[sflag:s30] =	ssyncset.done $0x0  }
0x6f: {  	[sflag:s30] =	ssyncadd.s32 $0xFFFFE000  }
.LBB2_1:
0x70: {  	_ =	swait.ge [sflag:s30], $0x2000  }
0x71: {  	s0 =	rddreg [dreg:$0x6]  }
0x72: {  	s1 =	rddreg [dreg:$0x5]  }
0x73: {  	[sflag:s30] =	ssyncset.done $0x0;
	s8 =	rddreg [dreg:$0x7]  }
0x74: {  	s15 =	rddreg [dreg:$0x10];
	[sflag:s30] =	ssyncadd.s32 $0xFFFFE000  }
0x75: {  	[tilespmem:s3], [sflag:$0xA] =	stream.linear.gather [hbm4b:s1+s3], $0x200, $0x38;
	[tilespmem:$0x12148] =	vst v63  }
0x76: {  	[spmem:s15], [sflag:s8] =	dma.local [hbm:s0], $0x400  }
0x77: {  	_ =	swait.ge [sflag:s5], $0x200  }
0x78: {  	[sflag:s5] =	ssyncset.done $0x0;
	s0 =	rddreg [dreg:$0x8]  }
0x79: {  	s1 =	rddreg [dreg:$0x11];
	[sflag:s5] =	ssyncadd.s32 $0xFFFFFE00  }
0x7a: {  	s8 =	simm.s32 @!p0 $0x1C0C;
	s15 =	rddreg [dreg:$0x0]  }
0x7b: {  	[tilespmem:s7], [sflag:$0x1] =	stream.indirect.gather [hbm4b:s15+s6], $0x80, s3, s6, $0xb8;
	[tilespmem:$0x12148] =	vst v63  }
0x7c: {  	[spmem:s1], [sflag:s8] =	dma.local @!p0 [hbm:s0], $0x10  }
0x7d: {  	_ =	swait.ge @!p0 [sflag:s9], $0x10  }
0x7e: {  	[sflag:s9] =	ssyncset.done @!p0 $0x0  }
0x7f: {  	[sflag:s9] =	ssyncadd.s32 @!p0 $0xFFFFFFF0  }
0x80: {  	_ =	swait.ge [sflag:s10], $0x400  }
0x81: {  	[sflag:s10] =	ssyncset.done $0x0  }
0x82: {  	[sflag:s10] =	ssyncadd.s32 $0xFFFFFC00  }
0x83: {  	[bflag:$0x0] =	sbarrier.arrive $0xFFFF  }
0x84: {  	[tilespmem:s11], [sflag:$0x2] =	stream.indirect.gather [spmem:s2], $0x80, s6, s6, $0xb8;
	[tilespmem:$0x12148] =	vst v63  }
0x85: {  	s1 =	rddreg [dreg:$0x12]  }
0x86: {  	[tilespmem:s12], [sflag:$0x3] =	stream.indirect.gather [spmem:s2], $0x80, s1, s6, $0xb8;
	[tilespmem:$0x12148] =	vst v63  }
0x87: {  	s8 =	rddreg [dreg:$0x13]  }
0x88: {  	[tilespmem:s13], [sflag:$0x4] =	stream.indirect.gather [spmem:s2], $0x80, s8, s6, $0xb8;
	[tilespmem:$0x12148] =	vst v63  }
0x89: {  	s15 =	rddreg [dreg:$0x14]  }
0x8a: {  	[tilespmem:s14], [sflag:$0x5] =	stream.indirect.gather [spmem:s2], $0x80, s15, s6, $0xb8;
	[tilespmem:$0x12148] =	vst v63  }
0x8b: {  	s8 =	simm.s32 $0x140  }
0x8c: {  	[tilespmem:s16], [sflag:$0x6] =	stream.indirect.gather [spmem:s2], $0x80, s8, s6, $0xb8;
	[tilespmem:$0x12148] =	vst v63  }
0x8d: {  	_ = 	snop  }
0x8e: {  	[tilespmem:s18], [sflag:$0x7] =	stream.indirect.gather [spmem:s2], $0x80, s17, s6, $0xb8;
	[tilespmem:$0x12148] =	vst v63  }
0x8f: {  	_ = 	snop  }
0x90: {  	[tilespmem:s20], [sflag:$0x8] =	stream.indirect.gather [spmem:s2], $0x80, s19, s6, $0xb8;
	[tilespmem:$0x12148] =	vst v63  }
0x91: {  	_ =	swait.ge [sflag:s21], $0x2000  }
0x92: {  	[sflag:s21] =	ssyncset.done $0x0  }
0x93: {  	[sflag:s21] =	ssyncadd.s32 $0xFFFFE000  }
0x94: {  	[hbm4b:s4+s3] =	stream.linear.scatter [tilespmem:s7], [sflag:$0x9], $0x2000, $0x38;
	[tilespmem:$0x12148] =	vst v63  }
0x95: {  	_ =	swait.ge [sflag:s22], $0x2000  }
0x96: {  	[sflag:s22] =	ssyncset.done $0x0  }
0x97: {  	s15 =	rddreg [dreg:$0x9];
	[sflag:s22] =	ssyncadd.s32 $0xFFFFE000  }
0x98: {  	[hbm4b:s15+s3] =	stream.linear.scatter [tilespmem:s11], [sflag:$0x9], $0x2000, $0x38;
	[tilespmem:$0x12148] =	vst v63  }
0x99: {  	_ =	swait.ge [sflag:s23], $0x2000  }
0x9a: {  	[sflag:s23] =	ssyncset.done $0x0  }
0x9b: {  	s1 =	rddreg [dreg:$0xa];
	[sflag:s23] =	ssyncadd.s32 $0xFFFFE000  }
0x9c: {  	[hbm4b:s1+s3] =	stream.linear.scatter [tilespmem:s12], [sflag:$0x9], $0x2000, $0x38;
	[tilespmem:$0x12148] =	vst v63  }
0x9d: {  	_ =	swait.ge [sflag:s24], $0x2000  }
0x9e: {  	[sflag:s24] =	ssyncset.done $0x0  }
0x9f: {  	s8 =	rddreg [dreg:$0xb];
	[sflag:s24] =	ssyncadd.s32 $0xFFFFE000  }
0xa0: {  	[hbm4b:s8+s3] =	stream.linear.scatter [tilespmem:s13], [sflag:$0x9], $0x2000, $0x38;
	[tilespmem:$0x12148] =	vst v63  }
0xa1: {  	_ =	swait.ge [sflag:s25], $0x2000  }
0xa2: {  	[sflag:s25] =	ssyncset.done $0x0  }
0xa3: {  	s15 =	rddreg [dreg:$0xc];
	[sflag:s25] =	ssyncadd.s32 $0xFFFFE000  }
0xa4: {  	[hbm4b:s15+s3] =	stream.linear.scatter [tilespmem:s14], [sflag:$0x9], $0x2000, $0x38;
	[tilespmem:$0x12148] =	vst v63  }
0xa5: {  	_ =	swait.ge [sflag:s26], $0x2000  }
0xa6: {  	[sflag:s26] =	ssyncset.done $0x0  }
0xa7: {  	s1 =	rddreg [dreg:$0xd];
	[sflag:s26] =	ssyncadd.s32 $0xFFFFE000  }
0xa8: {  	[hbm4b:s1+s3] =	stream.linear.scatter [tilespmem:s16], [sflag:$0x9], $0x2000, $0x38;
	[tilespmem:$0x12148] =	vst v63  }
0xa9: {  	_ =	swait.ge [sflag:s28], $0x2000  }
0xaa: {  	[sflag:s28] =	ssyncset.done $0x0  }
0xab: {  	s8 =	rddreg [dreg:$0xe];
	[sflag:s28] =	ssyncadd.s32 $0xFFFFE000  }
0xac: {  	[hbm4b:s8+s3] =	stream.linear.scatter [tilespmem:s18], [sflag:$0x9], $0x2000, $0x38;
	[tilespmem:$0x12148] =	vst v63  }
0xad: {  	_ =	swait.ge [sflag:s29], $0x2000  }
0xae: {  	[sflag:s29] =	ssyncset.done $0x0  }
0xaf: {  	s15 =	rddreg [dreg:$0xf];
	[sflag:s29] =	ssyncadd.s32 $0xFFFFE000  }
0xb0: {  	[hbm4b:s15+s3] =	stream.linear.scatter [tilespmem:s20], [sflag:$0x9], $0x2000, $0x38;
	[tilespmem:$0x12148] =	vst v63  }
0xb1: {  	_ =	swait.ge [sflag:s30], $0x2000  }
0xb2: {  	[sflag:s30] =	ssyncset.done $0x0  }
0xb3: {  	[sflag:s30] =	ssyncadd.s32 $0xFFFFE000  }
0xb4: {  	_ =	swait.ge [sflag:s30], $0x2000  }
0xb5: {  	[sflag:s30] =	ssyncset.done $0x0  }
0xb6: {  	[sflag:s30] =	ssyncadd.s32 $0xFFFFE000  }
0xb7: {  	_ =	swait.ge [sflag:s30], $0x2000  }
0xb8: {  	[sflag:s30] =	ssyncset.done $0x0  }
0xb9: {  	[sflag:s30] =	ssyncadd.s32 $0xFFFFE000  }
0xba: {  	_ =	swait.ge [sflag:s30], $0x2000  }
0xbb: {  	[sflag:s30] =	ssyncset.done $0x0  }
0xbc: {  	[sflag:s30] =	ssyncadd.s32 $0xFFFFE000  }
0xbd: {  	_ =	swait.ge [sflag:s30], $0x2000  }
0xbe: {  	[sflag:s30] =	ssyncset.done $0x0  }
0xbf: {  	s31 =	sadd.s32 $0xFFFFFFFF, s31;
	[sflag:s30] =	ssyncadd.s32 $0xFFFFE000  }
0xc0: {  	p1 =	sne.s32 s31, $0x0;
	_ =	swait.ge [sflag:s30], $0x2000  }
.Ltmp1:
0xc1: {  	[sflag:s30] =	ssyncset.done $0x0;
	(pc) =	sbr.rel @p1 .LBB2_1-.Ltmp1, $4  }
0xc2: {  	[sflag:s30] =	ssyncadd.s32 $0xFFFFE000  }
0xc3: {  	_ =	swait.ge [sflag:s30], $0x2000  }
0xc4: {  	[sflag:s30] =	ssyncset.done $0x0  }
0xc5: {  	[sflag:s30] =	ssyncadd.s32 $0xFFFFE000  }
.LBB2_2:
0xc6: {  	_ =	swait.ge [sflag:s30], $0x2000  }
0xc7: {  	[sflag:s30] =	ssyncset.done $0x0  }
0xc8: {  	[sflag:s30] =	ssyncadd.s32 $0xFFFFE000  }
0xc9: {  	_ =	sfence.sel $0x180000  }
0xca: {  	[bflag:$0x0] =	sbarrier.arrive $0xFFFF  }
0xcb: {  	_ =	strace $0x90000047  }
0xcc: {  	[bflag:$0x2] =	sbarrier.arrive $0xFFFF  }
0xcd: {  	s0 =	rddreg [dreg:$0x4]  }
0xce: {  	s0 =	sadd.s32 @!p0 $0x100000, s0  }
0xcf: {  	[sflag:s0] =	ssyncadd.tile.s32 @!p0 $0x1;
	_ =	shalt  }
.Lfunc_end2:
_tile_overlayer_lowered:
.L_overlay_start_2:
0xd0: {  	(tag) =	ssettag $0x2  }
0xd1: {  	s0 =	rddreg [dreg:$0x0];
	s2 =	stileid.u32  }
0xd2: {  	s1 =	rddreg [dreg:$0x1];
	p0 =	sne.s32 s2, $0x0  }
0xd3: {  	s3 =	rddreg [dreg:$0x2];
	[bflag:$0x3] =	sbarrier.arrive $0xFFFF;
	s2 =	simm.s32 @!p0 $0x1C0C  }
0xd4: {  	[timem:s3], [sflag:s2] =	dma.local @!p0 [hbm:s0], s1  }
0xd5: {  	s0 =	simm.s32 @!p0 $0xC  }
0xd6: {  	_ =	swait.ge @!p0 [sflag:s0], s1  }
0xd7: {  	s1 =	ssub.s32 @!p0 $0x0, s1;
	[sflag:s0] =	ssyncset.done @!p0 $0x0  }
0xd8: {  	[sflag:s0] =	ssyncadd.s32 @!p0 s1  }
0xd9: {  	[bflag:$0x3] =	sbarrier.arrive $0xFFFF  }
0xda: {  	_ =	shalt  }

</sc_bundles>
